<compile_context>
chip_gen: v7x
topology: tpu7x:2x2x1
jax: 0.10.2.dev20260603
libtpu: 0.0.44.dev20260713+nightly
codegen_flags: <defaults>
</compile_context>

<pallas_src>
import functools
import numpy as np
import jax
import jax.numpy as jnp
from jax import lax
from jax.experimental import pallas as pl
from jax.experimental.pallas import tpu as pltpu
from jax.experimental.pallas import tpu_sc as plsc

D_MODEL = 256
N_HEADS = 8
N_LEVELS = 4
N_POINTS = 4
D_HEAD = 32
_SPATIAL = [(64, 64), (32, 32), (16, 16), (8, 8)]
LEN_IN = sum(h * w for h, w in _SPATIAL)
BATCH = 4
LQ = LEN_IN
QB = 680
NQB = LQ // QB

_j = np.arange(256)
_lj = (_j // 8) % 4
_xyj = _j % 2
_W_of_l = np.array([w for (_, w) in _SPATIAL], np.float32)
_H_of_l = np.array([h for (h, _) in _SPATIAL], np.float32)
_starts = np.concatenate([[0], np.cumsum([h * w for h, w in _SPATIAL])[:-1]]).astype(np.int64)

INV_NORM = np.where(_xyj == 0, 1.0 / _W_of_l[_lj], 1.0 / _H_of_l[_lj]).astype(np.float32)[None, :]

SREF = (( _lj * 2 + _xyj)[None, :] == np.arange(8)[:, None]).astype(np.float32)

SX = np.zeros((256, 128), np.float32)
SY = np.zeros((256, 128), np.float32)
for _jj in range(256):
    if _jj % 2 == 0:
        SX[_jj, _jj // 2] = 1.0
    else:
        SY[_jj, _jj // 2] = 1.0

_j2 = np.arange(128)
_l2 = (_j2 // 4) % 4
_h2 = _j2 // 16
WROW = _W_of_l[_l2][None, :]
HROW = _H_of_l[_l2][None, :]
WROW_I = _W_of_l[_l2].astype(np.int32)[None, :]
WM1 = (_W_of_l[_l2] - 1).astype(np.float32)[None, :]
HM1 = (_H_of_l[_l2] - 1).astype(np.float32)[None, :]
WM1_I = (_W_of_l[_l2] - 1).astype(np.int32)[None, :]
HM1_I = (_H_of_l[_l2] - 1).astype(np.int32)[None, :]
START_ROW = _starts[_l2].astype(np.int32)[None, :]
H_ROW = _h2.astype(np.int32)[None, :]

G = (( _j2 // 16)[None, :] == np.arange(8)[:, None]).astype(np.float32).T
GT = G.T

CROWS_F = np.concatenate([WROW, HROW, WM1, HM1], axis=0)
CROWS_I = np.concatenate([WROW_I, WM1_I, HM1_I, START_ROW, H_ROW], axis=0)


def _kernel_a(q_ref, ref8_ref, x_ref, woff_ref, boff_ref, wattn_ref, battn_ref,
              wval_ref, bval_ref, sref_ref, invn_ref, g_ref, gt_ref, sx_ref,
              sy_ref, cf_ref, ci_ref, val_ref, sloc_ref, idx_ref, w_ref):
    b = pl.program_id(0)
    q = q_ref[0]
    x = x_ref[0]

    val_ref[0] = jnp.dot(x, wval_ref[...], preferred_element_type=jnp.float32, precision=jax.lax.Precision.HIGHEST) + bval_ref[...]

    off = jnp.dot(q, woff_ref[...], preferred_element_type=jnp.float32, precision=jax.lax.Precision.HIGHEST) + boff_ref[...]
    refc = jnp.dot(ref8_ref[0], sref_ref[...], preferred_element_type=jnp.float32, precision=jax.lax.Precision.HIGHEST)
    sloc = refc + off * invn_ref[...]
    sloc_ref[0] = sloc

    logits = jnp.dot(q, wattn_ref[...], preferred_element_type=jnp.float32, precision=jax.lax.Precision.HIGHEST) + battn_ref[...]
    e = jnp.exp(logits)
    denom = jnp.dot(jnp.dot(e, g_ref[...], preferred_element_type=jnp.float32, precision=jax.lax.Precision.HIGHEST),
                    gt_ref[...], preferred_element_type=jnp.float32, precision=jax.lax.Precision.HIGHEST)
    attn = e / denom

    X = jnp.dot(sloc, sx_ref[...], preferred_element_type=jnp.float32, precision=jax.lax.Precision.HIGHEST)
    Y = jnp.dot(sloc, sy_ref[...], preferred_element_type=jnp.float32, precision=jax.lax.Precision.HIGHEST)
    wrow = cf_ref[0:1]
    hrow = cf_ref[1:2]
    wm1 = cf_ref[2:3]
    hm1 = cf_ref[3:4]
    xp = X * wrow - 0.5
    yp = Y * hrow - 0.5
    x0 = jnp.floor(xp)
    y0 = jnp.floor(yp)
    fx = xp - x0
    fy = yp - y0
    wx0 = 1.0 - fx
    wy0 = 1.0 - fy

    vx0 = ((x0 >= 0.0) & (x0 <= wm1)).astype(jnp.float32)
    vx1 = ((x0 + 1.0 >= 0.0) & (x0 + 1.0 <= wm1)).astype(jnp.float32)
    vy0 = ((y0 >= 0.0) & (y0 <= hm1)).astype(jnp.float32)
    vy1 = ((y0 + 1.0 >= 0.0) & (y0 + 1.0 <= hm1)).astype(jnp.float32)

    ix0 = x0.astype(jnp.int32)
    iy0 = y0.astype(jnp.int32)
    zero = jnp.zeros_like(ix0)
    wm1i = ci_ref[1:2]
    hm1i = ci_ref[2:3]
    cx0 = jnp.clip(ix0, zero, wm1i)
    cx1 = jnp.clip(ix0 + 1, zero, wm1i)
    cy0 = jnp.clip(iy0, zero, hm1i)
    cy1 = jnp.clip(iy0 + 1, zero, hm1i)

    base = b * (LQ * N_HEADS) + ci_ref[4:5]
    st = ci_ref[3:4]
    wi = ci_ref[0:1]

    def gidx(cx, cy):
        return (st + cy * wi + cx) * N_HEADS + base

    idx_ref[0, 0] = gidx(cx0, cy0)
    idx_ref[0, 1] = gidx(cx1, cy0)
    idx_ref[0, 2] = gidx(cx0, cy1)
    idx_ref[0, 3] = gidx(cx1, cy1)

    w_ref[0, 0] = wx0 * wy0 * vx0 * vy0 * attn
    w_ref[0, 1] = fx * wy0 * vx1 * vy0 * attn
    w_ref[0, 2] = wx0 * fy * vx0 * vy1 * attn
    w_ref[0, 3] = fx * fy * vx1 * vy1 * attn


N_GATHER = BATCH * LQ * N_HEADS * 64
N_WORKERS = 32
ROWS_PER_W = N_GATHER // N_WORKERS
CHUNK = 1024
N_PAIRS = ROWS_PER_W // (2 * CHUNK)


def _sc_gather(table_hbm, idx_hbm, out_hbm, idx_v0, idx_v1, rows_v0, rows_v1,
               sg0, sg1, sw0, sw1):
    info = plsc.get_sparse_core_info()
    nc = info.num_cores
    wid = lax.axis_index("s") * nc + lax.axis_index("c")
    wbase = wid * ROWS_PER_W

    def body(i, _):
        base0 = pl.multiple_of(wbase + (2 * i) * CHUNK, CHUNK)
        base1 = pl.multiple_of(wbase + (2 * i + 1) * CHUNK, CHUNK)
        pltpu.sync_copy(idx_hbm.at[pl.ds(base0, CHUNK)], idx_v0)
        g0 = pltpu.async_copy(table_hbm.at[idx_v0], rows_v0, sg0)
        pltpu.sync_copy(idx_hbm.at[pl.ds(base1, CHUNK)], idx_v1)
        g1 = pltpu.async_copy(table_hbm.at[idx_v1], rows_v1, sg1)
        g0.wait()
        w0 = pltpu.async_copy(rows_v0, out_hbm.at[pl.ds(base0, CHUNK)], sw0)
        g1.wait()
        w1 = pltpu.async_copy(rows_v1, out_hbm.at[pl.ds(base1, CHUNK)], sw1)
        w0.wait()
        w1.wait()
        return ()

    lax.fori_loop(0, N_PAIRS, body, ())


_sc_gather_call = functools.partial(
    pl.kernel,
    mesh=plsc.VectorSubcoreMesh(core_axis_name="c", subcore_axis_name="s"),
    compiler_params=pltpu.CompilerParams(use_tc_tiling_on_sc=False),
    out_type=jax.ShapeDtypeStruct((N_GATHER, D_HEAD), jnp.float32),
    scratch_types=[
        pltpu.VMEM((CHUNK,), jnp.int32),
        pltpu.VMEM((CHUNK,), jnp.int32),
        pltpu.VMEM((CHUNK, D_HEAD), jnp.float32),
        pltpu.VMEM((CHUNK, D_HEAD), jnp.float32),
        pltpu.SemaphoreType.DMA,
        pltpu.SemaphoreType.DMA,
        pltpu.SemaphoreType.DMA,
        pltpu.SemaphoreType.DMA,
    ],
)(_sc_gather)


RB = 512
NRB = (BATCH * LQ * N_HEADS) // RB


EXPAND = ((np.arange(2048)[None, :] // 32) == np.arange(64)[:, None]).astype(np.float32)


def _kernel_ws(rows_ref, w_ref, e_ref, acc_ref):
    t = rows_ref[...]
    wexp = jnp.dot(w_ref[...], e_ref[...],
                   preferred_element_type=jnp.float32,
                   precision=jax.lax.Precision.HIGHEST)
    t = t * wexp
    k = 2048
    while k > 32:
        k //= 2
        t = t[:, :k] + t[:, k:]
    acc_ref[...] = t


def _kernel_c(acc_ref, wout_ref, bout_ref, out_ref):
    out_ref[0] = jnp.dot(acc_ref[0], wout_ref[...], preferred_element_type=jnp.float32, precision=jax.lax.Precision.HIGHEST) + bout_ref[...]


@jax.jit
def kernel(query, reference_points, input_flatten, input_spatial_shapes,
           input_level_start_index, W_off, b_off, W_attn, b_attn, W_val, b_val,
           W_out, b_out):
    del input_spatial_shapes, input_level_start_index
    ref8 = reference_points.reshape(BATCH, LQ, 8)

    full = lambda shp: pl.BlockSpec(shp, lambda b, qb: (0,) * len(shp))
    val, sloc, idx, w = pl.pallas_call(
        _kernel_a,
        grid=(BATCH, NQB),
        in_specs=[
            pl.BlockSpec((1, QB, 256), lambda b, qb: (b, qb, 0)),
            pl.BlockSpec((1, QB, 8), lambda b, qb: (b, qb, 0)),
            pl.BlockSpec((1, QB, 256), lambda b, qb: (b, qb, 0)),
            full((256, 256)), full((1, 256)),
            full((256, 128)), full((1, 128)),
            full((256, 256)), full((1, 256)),
            full((8, 256)), full((1, 256)), full((128, 8)), full((8, 128)),
            full((256, 128)), full((256, 128)), full((4, 128)), full((5, 128)),
        ],
        out_specs=[
            pl.BlockSpec((1, QB, 256), lambda b, qb: (b, qb, 0)),
            pl.BlockSpec((1, QB, 256), lambda b, qb: (b, qb, 0)),
            pl.BlockSpec((1, 4, QB, 128), lambda b, qb: (b, 0, qb, 0)),
            pl.BlockSpec((1, 4, QB, 128), lambda b, qb: (b, 0, qb, 0)),
        ],
        out_shape=[
            jax.ShapeDtypeStruct((BATCH, LEN_IN, 256), jnp.float32),
            jax.ShapeDtypeStruct((BATCH, LQ, 256), jnp.float32),
            jax.ShapeDtypeStruct((BATCH, 4, LQ, 128), jnp.int32),
            jax.ShapeDtypeStruct((BATCH, 4, LQ, 128), jnp.float32),
        ],
    )(query, ref8, input_flatten,
      W_off, b_off.reshape(1, 256), W_attn, b_attn.reshape(1, 128),
      W_val, b_val.reshape(1, 256),
      jnp.asarray(SREF), jnp.asarray(INV_NORM), jnp.asarray(G), jnp.asarray(GT),
      jnp.asarray(SX), jnp.asarray(SY), jnp.asarray(CROWS_F), jnp.asarray(CROWS_I))

    idx_r = idx.reshape(BATCH, 4, LQ, 8, 16).transpose(0, 2, 3, 1, 4).reshape(-1, 64)
    w_r = w.reshape(BATCH, 4, LQ, 8, 16).transpose(0, 2, 3, 1, 4).reshape(-1, 64)

    table = val.reshape(BATCH * LEN_IN * N_HEADS, D_HEAD)
    rows = _sc_gather_call(table, idx_r.reshape(-1))
    rows2d = rows.reshape(-1, 64 * D_HEAD)

    acc = pl.pallas_call(
        _kernel_ws,
        grid=(NRB,),
        in_specs=[
            pl.BlockSpec((RB, 64 * D_HEAD), lambda i: (i, 0)),
            pl.BlockSpec((RB, 64), lambda i: (i, 0)),
            pl.BlockSpec((64, 2048), lambda i: (0, 0)),
        ],
        out_specs=pl.BlockSpec((RB, D_HEAD), lambda i: (i, 0)),
        out_shape=jax.ShapeDtypeStruct((BATCH * LQ * N_HEADS, D_HEAD), jnp.float32),
    )(rows2d, w_r, jnp.asarray(EXPAND))
    acc = acc.reshape(BATCH, LQ, D_MODEL)

    out = pl.pallas_call(
        _kernel_c,
        grid=(BATCH, NQB),
        in_specs=[
            pl.BlockSpec((1, QB, 256), lambda b, qb: (b, qb, 0)),
            pl.BlockSpec((256, 256), lambda b, qb: (0, 0)),
            pl.BlockSpec((1, 256), lambda b, qb: (0, 0)),
        ],
        out_specs=pl.BlockSpec((1, QB, 256), lambda b, qb: (b, qb, 0)),
        out_shape=jax.ShapeDtypeStruct((BATCH, LQ, 256), jnp.float32),
    )(acc, W_out, b_out.reshape(1, 256))

    sampling_locations = sloc.reshape(BATCH, LQ, N_HEADS, N_LEVELS, N_POINTS, 2)
    return (out, sampling_locations)

# --- scband reference (transcript-rebuilt; emitter-appended) ---
"""Pipeline reference for scband-msdeform-attn-10136122818970 (READ-ONLY COPY).

The authoritative reference and input builder live on the scoring server;
editing this copy changes nothing except your own understanding.
"""

import jax, jax.numpy as jnp
import numpy as np

D_MODEL = 256
N_HEADS = 8
N_LEVELS = 4
N_POINTS = 4
D_HEAD = D_MODEL // N_HEADS
SPATIAL_SHAPES = [(64, 64), (32, 32), (16, 16), (8, 8)]
LEN_IN = sum(h * w for h, w in SPATIAL_SHAPES)
BATCH = 4
LEN_Q = LEN_IN


def setup_inputs(seed: int = 0) -> dict:
    key = jax.random.key(seed)
    ks = jax.random.split(key, 12)
    inp = {}
    inp["query"] = jax.random.normal(ks[0], (BATCH, LEN_Q, D_MODEL), dtype=jnp.float32)
    inp["reference_points"] = jax.random.uniform(ks[1], (BATCH, LEN_Q, N_LEVELS, 2), dtype=jnp.float32)
    inp["input_flatten"] = jax.random.normal(ks[2], (BATCH, LEN_IN, D_MODEL), dtype=jnp.float32)
    inp["input_spatial_shapes"] = jnp.array(SPATIAL_SHAPES, dtype=jnp.int32)
    starts = np.concatenate([[0], np.cumsum([h * w for h, w in SPATIAL_SHAPES])[:-1]])
    inp["input_level_start_index"] = jnp.array(starts, dtype=jnp.int32)
    sc = 0.02
    inp["W_off"] = jax.random.normal(ks[3], (D_MODEL, N_HEADS * N_LEVELS * N_POINTS * 2), dtype=jnp.float32) * sc
    inp["b_off"] = jax.random.normal(ks[4], (N_HEADS * N_LEVELS * N_POINTS * 2,), dtype=jnp.float32) * sc
    inp["W_attn"] = jax.random.normal(ks[5], (D_MODEL, N_HEADS * N_LEVELS * N_POINTS), dtype=jnp.float32) * sc
    inp["b_attn"] = jax.random.normal(ks[6], (N_HEADS * N_LEVELS * N_POINTS,), dtype=jnp.float32) * sc
    wsc = 1.0 / np.sqrt(D_MODEL)
    inp["W_val"] = jax.random.normal(ks[7], (D_MODEL, D_MODEL), dtype=jnp.float32) * wsc
    inp["b_val"] = jnp.zeros((D_MODEL,), dtype=jnp.float32)
    inp["W_out"] = jax.random.normal(ks[8], (D_MODEL, D_MODEL), dtype=jnp.float32) * wsc
    inp["b_out"] = jnp.zeros((D_MODEL,), dtype=jnp.float32)
    return inp


def _grid_sample(img, grid):
    # img: (B, H, W, C); grid: (B, L, P, 2) in [-1, 1]; bilinear, zeros padding, align_corners=False
    B, H, W, C = img.shape
    x = (grid[..., 0] + 1.0) * (W / 2.0) - 0.5
    y = (grid[..., 1] + 1.0) * (H / 2.0) - 0.5
    x0 = jnp.floor(x)
    y0 = jnp.floor(y)
    wx1 = x - x0
    wx0 = 1.0 - wx1
    wy1 = y - y0
    wy0 = 1.0 - wy1

    flat = img.reshape(B, H * W, C)

    def gather(ix, iy):
        valid = (ix >= 0) & (ix <= W - 1) & (iy >= 0) & (iy <= H - 1)
        ixc = jnp.clip(ix, 0, W - 1).astype(jnp.int32)
        iyc = jnp.clip(iy, 0, H - 1).astype(jnp.int32)
        idx = (iyc * W + ixc).reshape(B, -1)
        vals = jnp.take_along_axis(flat, idx[..., None], axis=1)
        vals = vals.reshape(B, ix.shape[1], ix.shape[2], C)
        return vals * valid[..., None].astype(img.dtype)

    v00 = gather(x0, y0)
    v10 = gather(x0 + 1.0, y0)
    v01 = gather(x0, y0 + 1.0)
    v11 = gather(x0 + 1.0, y0 + 1.0)
    out = (v00 * (wx0 * wy0)[..., None] + v10 * (wx1 * wy0)[..., None]
           + v01 * (wx0 * wy1)[..., None] + v11 * (wx1 * wy1)[..., None])
    return out


def reference(query, reference_points, input_flatten, input_spatial_shapes, input_level_start_index,
              W_off, b_off, W_attn, b_attn, W_val, b_val, W_out, b_out):
    N, Lq, _ = query.shape
    Len_in = input_flatten.shape[1]

    value = input_flatten @ W_val + b_val
    value = value.reshape(N, Len_in, N_HEADS, D_HEAD)

    off = (query @ W_off + b_off).reshape(N, Lq, N_HEADS, N_LEVELS, N_POINTS, 2)
    attn = (query @ W_attn + b_attn).reshape(N, Lq, N_HEADS, N_LEVELS * N_POINTS)
    attn = jax.nn.softmax(attn, axis=-1).reshape(N, Lq, N_HEADS, N_LEVELS, N_POINTS)

    offset_normalizer = jnp.stack([input_spatial_shapes[:, 1], input_spatial_shapes[:, 0]], -1).astype(query.dtype)
    sampling_locations = reference_points[:, :, None, :, None, :] + off / offset_normalizer[None, None, None, :, None, :]
    grids = 2.0 * sampling_locations - 1.0

    outs = []
    for lid in range(N_LEVELS):
        H, W = SPATIAL_SHAPES[lid]
        v_l = jax.lax.dynamic_slice_in_dim(value, input_level_start_index[lid], H * W, axis=1)
        v_l = v_l.reshape(N, H, W, N_HEADS, D_HEAD)
        v_l = v_l.transpose(0, 3, 1, 2, 4).reshape(N * N_HEADS, H, W, D_HEAD)
        g_l = grids[:, :, :, lid].transpose(0, 2, 1, 3, 4).reshape(N * N_HEADS, Lq, N_POINTS, 2)
        outs.append(_grid_sample(v_l, g_l))
    sampled = jnp.stack(outs, axis=2)  # (N*Hh, Lq, L, P, D_HEAD)
    attn_r = attn.transpose(0, 2, 1, 3, 4).reshape(N * N_HEADS, Lq, N_LEVELS, N_POINTS)
    out = (sampled * attn_r[..., None]).sum(axis=(2, 3))
    out = out.reshape(N, N_HEADS, Lq, D_HEAD).transpose(0, 2, 1, 3).reshape(N, Lq, D_MODEL)
    output = out @ W_out + b_out
    return (output, sampling_locations)

if __name__ == "__main__":
    import jax
    _d = setup_inputs()
    print(jax.jit(kernel)(*tuple(_d.values())))

</pallas_src>

<mosaic_0001>
#map = affine_map<(d0, d1) -> (0, 0)>
#map1 = affine_map<(d0, d1) -> (0)>
module attributes {stable_mosaic.version = 14 : i64} {
  func.func @_sc_gather(%arg0: i32, %arg1: i32, %arg2: memref<174080x32xf32, #tpu.memory_space<hbm>>, %arg3: memref<11141120xi32, #tpu.memory_space<hbm>>, %arg4: memref<11141120x32xf32, #tpu.memory_space<hbm>>, %arg5: memref<1024xi32, #tpu.memory_space<vmem>>, %arg6: memref<1024xi32, #tpu.memory_space<vmem>>, %arg7: memref<1024x32xf32, #tpu.memory_space<vmem>>, %arg8: memref<1024x32xf32, #tpu.memory_space<vmem>>, %arg9: memref<!tpu.dma_semaphore, #tpu.memory_space<semaphore_mem>>, %arg10: memref<!tpu.dma_semaphore, #tpu.memory_space<semaphore_mem>>, %arg11: memref<!tpu.dma_semaphore, #tpu.memory_space<semaphore_mem>>, %arg12: memref<!tpu.dma_semaphore, #tpu.memory_space<semaphore_mem>>) attributes {dimension_semantics = [#tpu.dimension_semantics<core_parallel>, #tpu.dimension_semantics<subcore_parallel>], iteration_bounds = array<i64: 2, 16>, scalar_prefetch = 0 : i64, scratch_operands = 8 : i64, tpu.core_type = #tpu.core_type<sc_vector_subcore>, window_params = [{transform_indices = #map}, {transform_indices = #map1}, {transform_indices = #map}]} {
    %mul3A = arith.constant 2 : i32
    %mul3A_0 = arith.muli %arg1, %mul3A : i32
    %add3A = arith.addi %mul3A_0, %arg0 : i32
    %mul3A_1 = arith.constant 348160 : i32
    %mul3A_2 = arith.muli %add3A, %mul3A_1 : i32
    %scan3A = arith.constant 0 : i32
    %scan3A_3 = arith.constant 170 : i32
    %scan3A_4 = arith.addi %scan3A, %scan3A_3 : i32
    %scan3A_5 = arith.constant 1 : i32
    scf.for %scan3A_7 = %scan3A to %scan3A_4 step %scan3A_5  : i32 {
      %mul3A_8 = arith.constant 2 : i32
      %mul3A_9 = arith.muli %mul3A_8, %scan3A_7 : i32
      %mul3A_10 = arith.constant 1024 : i32
      %mul3A_11 = arith.muli %mul3A_9, %mul3A_10 : i32
      %add3A_12 = arith.addi %mul3A_2, %mul3A_11 : i32
      %multiple_of3A = tpu.assume_multiple %add3A_12, 1024 : i32
      %mul3A_13 = arith.constant 2 : i32
      %mul3A_14 = arith.muli %mul3A_13, %scan3A_7 : i32
      %add3A_15 = arith.constant 1 : i32
      %add3A_16 = arith.addi %mul3A_14, %add3A_15 : i32
      %mul3A_17 = arith.constant 1024 : i32
      %mul3A_18 = arith.muli %add3A_16, %mul3A_17 : i32
      %add3A_19 = arith.addi %mul3A_2, %mul3A_18 : i32
      %multiple_of3A_20 = tpu.assume_multiple %add3A_19, 1024 : i32
      "tpu.region"() ({
        %run_scoped3A = tpu.sem_alloc : memref<!tpu.dma_semaphore, #tpu.memory_space<semaphore_mem>>
        %dma_start3A_47 = tpu.memref_slice %arg3[%multiple_of3A] : memref<11141120xi32, #tpu.memory_space<hbm>> -> memref<1024xi32, #tpu.memory_space<hbm>>
        %dma_start3A_48 = tpu.memref_slice %arg3[%multiple_of3A] : memref<11141120xi32, #tpu.memory_space<hbm>> -> memref<1024xi32, #tpu.memory_space<hbm>>
        tpu.enqueue_dma source(%dma_start3A_48 : memref<1024xi32, #tpu.memory_space<hbm>>) target(%arg5 : memref<1024xi32, #tpu.memory_space<vmem>>) target_semaphore(%run_scoped3A : memref<!tpu.dma_semaphore, #tpu.memory_space<semaphore_mem>>)
        %dma_wait3A_49 = tpu.memref_slice %arg3[%multiple_of3A] : memref<11141120xi32, #tpu.memory_space<hbm>> -> memref<1024xi32, #tpu.memory_space<hbm>>
        %dma_wait3A_50 = tpu.memref_slice %arg3[%multiple_of3A] : memref<11141120xi32, #tpu.memory_space<hbm>> -> memref<1024xi32, #tpu.memory_space<hbm>>
        tpu.wait_dma2 semaphore(%run_scoped3A : memref<!tpu.dma_semaphore, #tpu.memory_space<semaphore_mem>>) src(%dma_wait3A_50 : memref<1024xi32, #tpu.memory_space<hbm>>) dst(%arg5 : memref<1024xi32, #tpu.memory_space<vmem>>)
        tpu.yield
      }) : () -> ()
      %dma_start3A = arith.constant 0 : i32
      %dma_start3A_21 = arith.constant 0 : i32
      %dma_start3A_22 = tpu.memref_slice %arg2[%dma_start3A, %dma_start3A_21] : memref<174080x32xf32, #tpu.memory_space<hbm>> -> memref<174080x32xf32, #tpu.memory_space<hbm>>
      tpu.enqueue_indirect_dma source(%dma_start3A_22 : memref<174080x32xf32, #tpu.memory_space<hbm>>) target(%arg7 : memref<1024x32xf32, #tpu.memory_space<vmem>>) offsets(%arg5 : memref<1024xi32, #tpu.memory_space<vmem>>) semaphore(%arg9 : memref<!tpu.dma_semaphore, #tpu.memory_space<semaphore_mem>>)
      "tpu.region"() ({
        %run_scoped3A = tpu.sem_alloc : memref<!tpu.dma_semaphore, #tpu.memory_space<semaphore_mem>>
        %dma_start3A_47 = tpu.memref_slice %arg3[%multiple_of3A_20] : memref<11141120xi32, #tpu.memory_space<hbm>> -> memref<1024xi32, #tpu.memory_space<hbm>>
        %dma_start3A_48 = tpu.memref_slice %arg3[%multiple_of3A_20] : memref<11141120xi32, #tpu.memory_space<hbm>> -> memref<1024xi32, #tpu.memory_space<hbm>>
        tpu.enqueue_dma source(%dma_start3A_48 : memref<1024xi32, #tpu.memory_space<hbm>>) target(%arg6 : memref<1024xi32, #tpu.memory_space<vmem>>) target_semaphore(%run_scoped3A : memref<!tpu.dma_semaphore, #tpu.memory_space<semaphore_mem>>)
        %dma_wait3A_49 = tpu.memref_slice %arg3[%multiple_of3A_20] : memref<11141120xi32, #tpu.memory_space<hbm>> -> memref<1024xi32, #tpu.memory_space<hbm>>
        %dma_wait3A_50 = tpu.memref_slice %arg3[%multiple_of3A_20] : memref<11141120xi32, #tpu.memory_space<hbm>> -> memref<1024xi32, #tpu.memory_space<hbm>>
        tpu.wait_dma2 semaphore(%run_scoped3A : memref<!tpu.dma_semaphore, #tpu.memory_space<semaphore_mem>>) src(%dma_wait3A_50 : memref<1024xi32, #tpu.memory_space<hbm>>) dst(%arg6 : memref<1024xi32, #tpu.memory_space<vmem>>)
        tpu.yield
      }) : () -> ()
      %dma_start3A_23 = arith.constant 0 : i32
      %dma_start3A_24 = arith.constant 0 : i32
      %dma_start3A_25 = tpu.memref_slice %arg2[%dma_start3A_23, %dma_start3A_24] : memref<174080x32xf32, #tpu.memory_space<hbm>> -> memref<174080x32xf32, #tpu.memory_space<hbm>>
      tpu.enqueue_indirect_dma source(%dma_start3A_25 : memref<174080x32xf32, #tpu.memory_space<hbm>>) target(%arg8 : memref<1024x32xf32, #tpu.memory_space<vmem>>) offsets(%arg6 : memref<1024xi32, #tpu.memory_space<vmem>>) semaphore(%arg10 : memref<!tpu.dma_semaphore, #tpu.memory_space<semaphore_mem>>)
      %dma_wait3A = arith.constant 0 : i32
      %dma_wait3A_26 = arith.constant 0 : i32
      %dma_wait3A_27 = tpu.memref_slice %arg2[%dma_wait3A, %dma_wait3A_26] : memref<174080x32xf32, #tpu.memory_space<hbm>> -> memref<174080x32xf32, #tpu.memory_space<hbm>>
      tpu.wait_indirect_dma semaphore(%arg9 : memref<!tpu.dma_semaphore, #tpu.memory_space<semaphore_mem>>) src(%dma_wait3A_27 : memref<174080x32xf32, #tpu.memory_space<hbm>>) dst(%arg7 : memref<1024x32xf32, #tpu.memory_space<vmem>>)
      %dma_start3A_28 = arith.constant 0 : i32
      %dma_start3A_29 = tpu.memref_slice %arg4[%multiple_of3A, %dma_start3A_28] : memref<11141120x32xf32, #tpu.memory_space<hbm>> -> memref<1024x32xf32, #tpu.memory_space<hbm>>
      %dma_start3A_30 = arith.constant 0 : i32
      %dma_start3A_31 = tpu.memref_slice %arg4[%multiple_of3A, %dma_start3A_30] : memref<11141120x32xf32, #tpu.memory_space<hbm>> -> memref<1024x32xf32, #tpu.memory_space<hbm>>
      tpu.enqueue_dma source(%arg7 : memref<1024x32xf32, #tpu.memory_space<vmem>>) target(%dma_start3A_31 : memref<1024x32xf32, #tpu.memory_space<hbm>>) target_semaphore(%arg11 : memref<!tpu.dma_semaphore, #tpu.memory_space<semaphore_mem>>)
      %dma_wait3A_32 = arith.constant 0 : i32
      %dma_wait3A_33 = arith.constant 0 : i32
      %dma_wait3A_34 = tpu.memref_slice %arg2[%dma_wait3A_32, %dma_wait3A_33] : memref<174080x32xf32, #tpu.memory_space<hbm>> -> memref<174080x32xf32, #tpu.memory_space<hbm>>
      tpu.wait_indirect_dma semaphore(%arg10 : memref<!tpu.dma_semaphore, #tpu.memory_space<semaphore_mem>>) src(%dma_wait3A_34 : memref<174080x32xf32, #tpu.memory_space<hbm>>) dst(%arg8 : memref<1024x32xf32, #tpu.memory_space<vmem>>)
      %dma_start3A_35 = arith.constant 0 : i32
      %dma_start3A_36 = tpu.memref_slice %arg4[%multiple_of3A_20, %dma_start3A_35] : memref<11141120x32xf32, #tpu.memory_space<hbm>> -> memref<1024x32xf32, #tpu.memory_space<hbm>>
      %dma_start3A_37 = arith.constant 0 : i32
      %dma_start3A_38 = tpu.memref_slice %arg4[%multiple_of3A_20, %dma_start3A_37] : memref<11141120x32xf32, #tpu.memory_space<hbm>> -> memref<1024x32xf32, #tpu.memory_space<hbm>>
      tpu.enqueue_dma source(%arg8 : memref<1024x32xf32, #tpu.memory_space<vmem>>) target(%dma_start3A_38 : memref<1024x32xf32, #tpu.memory_space<hbm>>) target_semaphore(%arg12 : memref<!tpu.dma_semaphore, #tpu.memory_space<semaphore_mem>>)
      %dma_wait3A_39 = arith.constant 0 : i32
      %dma_wait3A_40 = tpu.memref_slice %arg4[%multiple_of3A, %dma_wait3A_39] : memref<11141120x32xf32, #tpu.memory_space<hbm>> -> memref<1024x32xf32, #tpu.memory_space<hbm>>
      %dma_wait3A_41 = arith.constant 0 : i32
      %dma_wait3A_42 = tpu.memref_slice %arg4[%multiple_of3A, %dma_wait3A_41] : memref<11141120x32xf32, #tpu.memory_space<hbm>> -> memref<1024x32xf32, #tpu.memory_space<hbm>>
      tpu.wait_dma2 semaphore(%arg11 : memref<!tpu.dma_semaphore, #tpu.memory_space<semaphore_mem>>) src(%arg7 : memref<1024x32xf32, #tpu.memory_space<vmem>>) dst(%dma_wait3A_42 : memref<1024x32xf32, #tpu.memory_space<hbm>>)
      %dma_wait3A_43 = arith.constant 0 : i32
      %dma_wait3A_44 = tpu.memref_slice %arg4[%multiple_of3A_20, %dma_wait3A_43] : memref<11141120x32xf32, #tpu.memory_space<hbm>> -> memref<1024x32xf32, #tpu.memory_space<hbm>>
      %dma_wait3A_45 = arith.constant 0 : i32
      %dma_wait3A_46 = tpu.memref_slice %arg4[%multiple_of3A_20, %dma_wait3A_45] : memref<11141120x32xf32, #tpu.memory_space<hbm>> -> memref<1024x32xf32, #tpu.memory_space<hbm>>
      tpu.wait_dma2 semaphore(%arg12 : memref<!tpu.dma_semaphore, #tpu.memory_space<semaphore_mem>>) src(%arg8 : memref<1024x32xf32, #tpu.memory_space<vmem>>) dst(%dma_wait3A_46 : memref<1024x32xf32, #tpu.memory_space<hbm>>)
    }
    %scan3A_6 = arith.constant 170 : i32
    return
  }
}

module attributes {stable_mosaic.version = 14 : i64} {
  func.func @_kernel_a(%arg0: i32, %arg1: i32, %arg2: memref<1x680x256xf32, #tpu.memory_space<vmem>>, %arg3: memref<1x680x8xf32, #tpu.memory_space<vmem>>, %arg4: memref<1x680x256xf32, #tpu.memory_space<vmem>>, %arg5: memref<256x256xf32, #tpu.memory_space<vmem>>, %arg6: memref<1x256xf32, #tpu.memory_space<vmem>>, %arg7: memref<256x128xf32, #tpu.memory_space<vmem>>, %arg8: memref<1x128xf32, #tpu.memory_space<vmem>>, %arg9: memref<256x256xf32, #tpu.memory_space<vmem>>, %arg10: memref<1x256xf32, #tpu.memory_space<vmem>>, %arg11: memref<8x256xf32, #tpu.memory_space<vmem>>, %arg12: memref<1x256xf32, #tpu.memory_space<vmem>>, %arg13: memref<128x8xf32, #tpu.memory_space<vmem>>, %arg14: memref<8x128xf32, #tpu.memory_space<vmem>>, %arg15: memref<256x128xf32, #tpu.memory_space<vmem>>, %arg16: memref<256x128xf32, #tpu.memory_space<vmem>>, %arg17: memref<4x128xf32, #tpu.memory_space<vmem>>, %arg18: memref<5x128xi32, #tpu.memory_space<vmem>>, %arg19: memref<1x680x256xf32, #tpu.memory_space<vmem>>, %arg20: memref<1x680x256xf32, #tpu.memory_space<vmem>>, %arg21: memref<1x4x680x128xi32, #tpu.memory_space<vmem>>, %arg22: memref<1x4x680x128xf32, #tpu.memory_space<vmem>>) attributes {dimension_semantics = [#tpu.dimension_semantics<arbitrary>, #tpu.dimension_semantics<arbitrary>], iteration_bounds = array<i64: 4, 8>, scalar_prefetch = 0 : i64, scratch_operands = 0 : i64, tpu.core_type = #tpu.core_type<tc>, window_params = [{transform_indices = @transform_0, window_bounds = array<i64: 1, 680, 256>}, {transform_indices = @transform_1, window_bounds = array<i64: 1, 680, 8>}, {transform_indices = @transform_2, window_bounds = array<i64: 1, 680, 256>}, {pipeline_mode = #tpu.pipeline_mode<synchronous>, transform_indices = @transform_3, window_bounds = array<i64: 256, 256>}, {pipeline_mode = #tpu.pipeline_mode<synchronous>, transform_indices = @transform_4, window_bounds = array<i64: 1, 256>}, {pipeline_mode = #tpu.pipeline_mode<synchronous>, transform_indices = @transform_5, window_bounds = array<i64: 256, 128>}, {pipeline_mode = #tpu.pipeline_mode<synchronous>, transform_indices = @transform_6, window_bounds = array<i64: 1, 128>}, {pipeline_mode = #tpu.pipeline_mode<synchronous>, transform_indices = @transform_7, window_bounds = array<i64: 256, 256>}, {pipeline_mode = #tpu.pipeline_mode<synchronous>, transform_indices = @transform_8, window_bounds = array<i64: 1, 256>}, {pipeline_mode = #tpu.pipeline_mode<synchronous>, transform_indices = @transform_9, window_bounds = array<i64: 8, 256>}, {pipeline_mode = #tpu.pipeline_mode<synchronous>, transform_indices = @transform_10, window_bounds = array<i64: 1, 256>}, {pipeline_mode = #tpu.pipeline_mode<synchronous>, transform_indices = @transform_11, window_bounds = array<i64: 128, 8>}, {pipeline_mode = #tpu.pipeline_mode<synchronous>, transform_indices = @transform_12, window_bounds = array<i64: 8, 128>}, {pipeline_mode = #tpu.pipeline_mode<synchronous>, transform_indices = @transform_13, window_bounds = array<i64: 256, 128>}, {pipeline_mode = #tpu.pipeline_mode<synchronous>, transform_indices = @transform_14, window_bounds = array<i64: 256, 128>}, {pipeline_mode = #tpu.pipeline_mode<synchronous>, transform_indices = @transform_15, window_bounds = array<i64: 4, 128>}, {pipeline_mode = #tpu.pipeline_mode<synchronous>, transform_indices = @transform_16, window_bounds = array<i64: 5, 128>}, {transform_indices = @transform_17, window_bounds = array<i64: 1, 680, 256>}, {transform_indices = @transform_18, window_bounds = array<i64: 1, 680, 256>}, {transform_indices = @transform_19, window_bounds = array<i64: 1, 4, 680, 128>}, {transform_indices = @transform_20, window_bounds = array<i64: 1, 4, 680, 128>}]} {
    %get3A = arith.constant 0 : index
    %get3A_0 = arith.constant 0 : index
    %get3A_1 = arith.constant 0 : index
    %get3A_2 = vector.load %arg2[%get3A, %get3A_0, %get3A_1] : memref<1x680x256xf32, #tpu.memory_space<vmem>>, vector<1x680x256xf32>
    %get3A_3 = vector.shape_cast %get3A_2 : vector<1x680x256xf32> to vector<680x256xf32>
    %get3A_4 = arith.constant 0 : index
    %get3A_5 = arith.constant 0 : index
    %get3A_6 = arith.constant 0 : index
    %get3A_7 = vector.load %arg4[%get3A_4, %get3A_5, %get3A_6] : memref<1x680x256xf32, #tpu.memory_space<vmem>>, vector<1x680x256xf32>
    %get3A_8 = vector.shape_cast %get3A_7 : vector<1x680x256xf32> to vector<680x256xf32>
    %get3A_9 = arith.constant 0 : index
    %get3A_10 = arith.constant 0 : index
    %get3A_11 = vector.load %arg9[%get3A_9, %get3A_10] : memref<256x256xf32, #tpu.memory_space<vmem>>, vector<256x256xf32>
    %dot_general3A = arith.constant dense<0.000000e+00> : vector<680x256xf32>
    %dot_general3A_12 = tpu.matmul %get3A_8, %get3A_11, %dot_general3A {dimension_numbers = #tpu.dot_dimension_numbers<[1], [0], [0], [1], [0, 0, 1, 1], [], []>, precision = #tpu.contract_precision<fp32>, transpose_lhs_hint = false} : vector<680x256xf32>, vector<256x256xf32>, vector<680x256xf32> -> vector<680x256xf32>
    %get3A_13 = arith.constant 0 : index
    %get3A_14 = arith.constant 0 : index
    %get3A_15 = vector.load %arg10[%get3A_13, %get3A_14] : memref<1x256xf32, #tpu.memory_space<vmem>>, vector<1x256xf32>
    %add3A = vector.broadcast %get3A_15 : vector<1x256xf32> to vector<680x256xf32>
    %add3A_16 = arith.addf %dot_general3A_12, %add3A : vector<680x256xf32>
    %swap3A = arith.constant 0 : index
    %swap3A_17 = arith.constant 0 : index
    %swap3A_18 = arith.constant 0 : index
    %swap3A_19 = vector.load %arg19[%swap3A, %swap3A_17, %swap3A_18] : memref<1x680x256xf32, #tpu.memory_space<vmem>>, vector<1x680x256xf32>
    %swap3A_20 = vector.shape_cast %swap3A_19 : vector<1x680x256xf32> to vector<680x256xf32>
    %swap3A_21 = vector.shape_cast %add3A_16 : vector<680x256xf32> to vector<1x680x256xf32>
    tpu.vector_store %arg19[%swap3A, %swap3A_17, %swap3A_18], %swap3A_21 {strides = array<i32>} : memref<1x680x256xf32, #tpu.memory_space<vmem>>, vector<1x680x256xf32>,
    %get3A_22 = arith.constant 0 : index
    %get3A_23 = arith.constant 0 : index
    %get3A_24 = vector.load %arg5[%get3A_22, %get3A_23] : memref<256x256xf32, #tpu.memory_space<vmem>>, vector<256x256xf32>
    %dot_general3A_25 = arith.constant dense<0.000000e+00> : vector<680x256xf32>
    %dot_general3A_26 = tpu.matmul %get3A_3, %get3A_24, %dot_general3A_25 {dimension_numbers = #tpu.dot_dimension_numbers<[1], [0], [0], [1], [0, 0, 1, 1], [], []>, precision = #tpu.contract_precision<fp32>, transpose_lhs_hint = false} : vector<680x256xf32>, vector<256x256xf32>, vector<680x256xf32> -> vector<680x256xf32>
    %get3A_27 = arith.constant 0 : index
    %get3A_28 = arith.constant 0 : index
    %get3A_29 = vector.load %arg6[%get3A_27, %get3A_28] : memref<1x256xf32, #tpu.memory_space<vmem>>, vector<1x256xf32>
    %add3A_30 = vector.broadcast %get3A_29 : vector<1x256xf32> to vector<680x256xf32>
    %add3A_31 = arith.addf %dot_general3A_26, %add3A_30 : vector<680x256xf32>
    %get3A_32 = arith.constant 0 : index
    %get3A_33 = arith.constant 0 : index
    %get3A_34 = arith.constant 0 : index
    %get3A_35 = vector.load %arg3[%get3A_32, %get3A_33, %get3A_34] : memref<1x680x8xf32, #tpu.memory_space<vmem>>, vector<1x680x8xf32>
    %get3A_36 = vector.shape_cast %get3A_35 : vector<1x680x8xf32> to vector<680x8xf32>
    %get3A_37 = arith.constant 0 : index
    %get3A_38 = arith.constant 0 : index
    %get3A_39 = vector.load %arg11[%get3A_37, %get3A_38] : memref<8x256xf32, #tpu.memory_space<vmem>>, vector<8x256xf32>
    %dot_general3A_40 = arith.constant dense<0.000000e+00> : vector<680x256xf32>
    %dot_general3A_41 = tpu.matmul %get3A_36, %get3A_39, %dot_general3A_40 {dimension_numbers = #tpu.dot_dimension_numbers<[1], [0], [0], [1], [0, 0, 1, 1], [], []>, precision = #tpu.contract_precision<fp32>, transpose_lhs_hint = false} : vector<680x8xf32>, vector<8x256xf32>, vector<680x256xf32> -> vector<680x256xf32>
    %get3A_42 = arith.constant 0 : index
    %get3A_43 = arith.constant 0 : index
    %get3A_44 = vector.load %arg12[%get3A_42, %get3A_43] : memref<1x256xf32, #tpu.memory_space<vmem>>, vector<1x256xf32>
    %mul3A = vector.broadcast %get3A_44 : vector<1x256xf32> to vector<680x256xf32>
    %mul3A_45 = arith.mulf %add3A_31, %mul3A : vector<680x256xf32>
    %add3A_46 = arith.addf %dot_general3A_41, %mul3A_45 : vector<680x256xf32>
    %swap3A_47 = arith.constant 0 : index
    %swap3A_48 = arith.constant 0 : index
    %swap3A_49 = arith.constant 0 : index
    %swap3A_50 = vector.load %arg20[%swap3A_47, %swap3A_48, %swap3A_49] : memref<1x680x256xf32, #tpu.memory_space<vmem>>, vector<1x680x256xf32>
    %swap3A_51 = vector.shape_cast %swap3A_50 : vector<1x680x256xf32> to vector<680x256xf32>
    %swap3A_52 = vector.shape_cast %add3A_46 : vector<680x256xf32> to vector<1x680x256xf32>
    tpu.vector_store %arg20[%swap3A_47, %swap3A_48, %swap3A_49], %swap3A_52 {strides = array<i32>} : memref<1x680x256xf32, #tpu.memory_space<vmem>>, vector<1x680x256xf32>,
    %get3A_53 = arith.constant 0 : index
    %get3A_54 = arith.constant 0 : index
    %get3A_55 = vector.load %arg7[%get3A_53, %get3A_54] : memref<256x128xf32, #tpu.memory_space<vmem>>, vector<256x128xf32>
    %dot_general3A_56 = arith.constant dense<0.000000e+00> : vector<680x128xf32>
    %dot_general3A_57 = tpu.matmul %get3A_3, %get3A_55, %dot_general3A_56 {dimension_numbers = #tpu.dot_dimension_numbers<[1], [0], [0], [1], [0, 0, 1, 1], [], []>, precision = #tpu.contract_precision<fp32>, transpose_lhs_hint = false} : vector<680x256xf32>, vector<256x128xf32>, vector<680x128xf32> -> vector<680x128xf32>
    %get3A_58 = arith.constant 0 : index
    %get3A_59 = arith.constant 0 : index
    %get3A_60 = vector.load %arg8[%get3A_58, %get3A_59] : memref<1x128xf32, #tpu.memory_space<vmem>>, vector<1x128xf32>
    %add3A_61 = vector.broadcast %get3A_60 : vector<1x128xf32> to vector<680x128xf32>
    %add3A_62 = arith.addf %dot_general3A_57, %add3A_61 : vector<680x128xf32>
    %exp3A = math.exp %add3A_62 : vector<680x128xf32>
    %get3A_63 = arith.constant 0 : index
    %get3A_64 = arith.constant 0 : index
    %get3A_65 = vector.load %arg13[%get3A_63, %get3A_64] : memref<128x8xf32, #tpu.memory_space<vmem>>, vector<128x8xf32>
    %dot_general3A_66 = arith.constant dense<0.000000e+00> : vector<680x8xf32>
    %dot_general3A_67 = tpu.matmul %exp3A, %get3A_65, %dot_general3A_66 {dimension_numbers = #tpu.dot_dimension_numbers<[1], [0], [0], [1], [0, 0, 1, 1], [], []>, precision = #tpu.contract_precision<fp32>, transpose_lhs_hint = false} : vector<680x128xf32>, vector<128x8xf32>, vector<680x8xf32> -> vector<680x8xf32>
    %get3A_68 = arith.constant 0 : index
    %get3A_69 = arith.constant 0 : index
    %get3A_70 = vector.load %arg14[%get3A_68, %get3A_69] : memref<8x128xf32, #tpu.memory_space<vmem>>, vector<8x128xf32>
    %dot_general3A_71 = arith.constant dense<0.000000e+00> : vector<680x128xf32>
    %dot_general3A_72 = tpu.matmul %dot_general3A_67, %get3A_70, %dot_general3A_71 {dimension_numbers = #tpu.dot_dimension_numbers<[1], [0], [0], [1], [0, 0, 1, 1], [], []>, precision = #tpu.contract_precision<fp32>, transpose_lhs_hint = false} : vector<680x8xf32>, vector<8x128xf32>, vector<680x128xf32> -> vector<680x128xf32>
    %div3A = arith.divf %exp3A, %dot_general3A_72 : vector<680x128xf32>
    %get3A_73 = arith.constant 0 : index
    %get3A_74 = arith.constant 0 : index
    %get3A_75 = vector.load %arg15[%get3A_73, %get3A_74] : memref<256x128xf32, #tpu.memory_space<vmem>>, vector<256x128xf32>
    %dot_general3A_76 = arith.constant dense<0.000000e+00> : vector<680x128xf32>
    %dot_general3A_77 = tpu.matmul %add3A_46, %get3A_75, %dot_general3A_76 {dimension_numbers = #tpu.dot_dimension_numbers<[1], [0], [0], [1], [0, 0, 1, 1], [], []>, precision = #tpu.contract_precision<fp32>, transpose_lhs_hint = false} : vector<680x256xf32>, vector<256x128xf32>, vector<680x128xf32> -> vector<680x128xf32>
    %get3A_78 = arith.constant 0 : index
    %get3A_79 = arith.constant 0 : index
    %get3A_80 = vector.load %arg16[%get3A_78, %get3A_79] : memref<256x128xf32, #tpu.memory_space<vmem>>, vector<256x128xf32>
    %dot_general3A_81 = arith.constant dense<0.000000e+00> : vector<680x128xf32>
    %dot_general3A_82 = tpu.matmul %add3A_46, %get3A_80, %dot_general3A_81 {dimension_numbers = #tpu.dot_dimension_numbers<[1], [0], [0], [1], [0, 0, 1, 1], [], []>, precision = #tpu.contract_precision<fp32>, transpose_lhs_hint = false} : vector<680x256xf32>, vector<256x128xf32>, vector<680x128xf32> -> vector<680x128xf32>
    %get3A_83 = arith.constant 0 : index
    %get3A_84 = arith.constant 0 : index
    %get3A_85 = vector.load %arg17[%get3A_83, %get3A_84] : memref<4x128xf32, #tpu.memory_space<vmem>>, vector<1x128xf32>
    %get3A_86 = arith.constant 1 : index
    %get3A_87 = arith.constant 0 : index
    %get3A_88 = vector.load %arg17[%get3A_86, %get3A_87] : memref<4x128xf32, #tpu.memory_space<vmem>>, vector<1x128xf32>
    %get3A_89 = arith.constant 2 : index
    %get3A_90 = arith.constant 0 : index
    %get3A_91 = vector.load %arg17[%get3A_89, %get3A_90] : memref<4x128xf32, #tpu.memory_space<vmem>>, vector<1x128xf32>
    %get3A_92 = arith.constant 3 : index
    %get3A_93 = arith.constant 0 : index
    %get3A_94 = vector.load %arg17[%get3A_92, %get3A_93] : memref<4x128xf32, #tpu.memory_space<vmem>>, vector<1x128xf32>
    %mul3A_95 = vector.broadcast %get3A_85 : vector<1x128xf32> to vector<680x128xf32>
    %mul3A_96 = arith.mulf %dot_general3A_77, %mul3A_95 : vector<680x128xf32>
    %sub3A = arith.constant 5.000000e-01 : f32
    %sub3A_97 = vector.broadcast %sub3A : f32 to vector<680x128xf32>
    %sub3A_98 = arith.subf %mul3A_96, %sub3A_97 : vector<680x128xf32>
    %mul3A_99 = vector.broadcast %get3A_88 : vector<1x128xf32> to vector<680x128xf32>
    %mul3A_100 = arith.mulf %dot_general3A_82, %mul3A_99 : vector<680x128xf32>
    %sub3A_101 = arith.constant 5.000000e-01 : f32
    %sub3A_102 = vector.broadcast %sub3A_101 : f32 to vector<680x128xf32>
    %sub3A_103 = arith.subf %mul3A_100, %sub3A_102 : vector<680x128xf32>
    %floor3A = math.floor %sub3A_98 : vector<680x128xf32>
    %floor3A_104 = math.floor %sub3A_103 : vector<680x128xf32>
    %sub3A_105 = arith.subf %sub3A_98, %floor3A : vector<680x128xf32>
    %sub3A_106 = arith.subf %sub3A_103, %floor3A_104 : vector<680x128xf32>
    %sub3A_107 = arith.constant 1.000000e+00 : f32
    %sub3A_108 = vector.broadcast %sub3A_107 : f32 to vector<680x128xf32>
    %sub3A_109 = arith.subf %sub3A_108, %sub3A_105 : vector<680x128xf32>
    %sub3A_110 = arith.constant 1.000000e+00 : f32
    %sub3A_111 = vector.broadcast %sub3A_110 : f32 to vector<680x128xf32>
    %sub3A_112 = arith.subf %sub3A_111, %sub3A_106 : vector<680x128xf32>
    %ge3A = arith.constant 0.000000e+00 : f32
    %ge3A_113 = vector.broadcast %ge3A : f32 to vector<680x128xf32>
    %ge3A_114 = arith.cmpf oge, %floor3A, %ge3A_113 : vector<680x128xf32>
    %le3A = vector.broadcast %get3A_91 : vector<1x128xf32> to vector<680x128xf32>
    %le3A_115 = arith.cmpf ole, %floor3A, %le3A : vector<680x128xf32>
    %and3A = arith.andi %ge3A_114, %le3A_115 : vector<680x128xi1>
    %convert_element_type3A = arith.extui %and3A : vector<680x128xi1> to vector<680x128xi32>
    %convert_element_type3A_116 = arith.sitofp %convert_element_type3A : vector<680x128xi32> to vector<680x128xf32>
    %add3A_117 = arith.constant 1.000000e+00 : f32
    %add3A_118 = vector.broadcast %add3A_117 : f32 to vector<680x128xf32>
    %add3A_119 = arith.addf %floor3A, %add3A_118 : vector<680x128xf32>
    %ge3A_120 = arith.constant 0.000000e+00 : f32
    %ge3A_121 = vector.broadcast %ge3A_120 : f32 to vector<680x128xf32>
    %ge3A_122 = arith.cmpf oge, %add3A_119, %ge3A_121 : vector<680x128xf32>
    %add3A_123 = arith.constant 1.000000e+00 : f32
    %add3A_124 = vector.broadcast %add3A_123 : f32 to vector<680x128xf32>
    %add3A_125 = arith.addf %floor3A, %add3A_124 : vector<680x128xf32>
    %le3A_126 = vector.broadcast %get3A_91 : vector<1x128xf32> to vector<680x128xf32>
    %le3A_127 = arith.cmpf ole, %add3A_125, %le3A_126 : vector<680x128xf32>
    %and3A_128 = arith.andi %ge3A_122, %le3A_127 : vector<680x128xi1>
    %convert_element_type3A_129 = arith.extui %and3A_128 : vector<680x128xi1> to vector<680x128xi32>
    %convert_element_type3A_130 = arith.sitofp %convert_element_type3A_129 : vector<680x128xi32> to vector<680x128xf32>
    %ge3A_131 = arith.constant 0.000000e+00 : f32
    %ge3A_132 = vector.broadcast %ge3A_131 : f32 to vector<680x128xf32>
    %ge3A_133 = arith.cmpf oge, %floor3A_104, %ge3A_132 : vector<680x128xf32>
    %le3A_134 = vector.broadcast %get3A_94 : vector<1x128xf32> to vector<680x128xf32>
    %le3A_135 = arith.cmpf ole, %floor3A_104, %le3A_134 : vector<680x128xf32>
    %and3A_136 = arith.andi %ge3A_133, %le3A_135 : vector<680x128xi1>
    %convert_element_type3A_137 = arith.extui %and3A_136 : vector<680x128xi1> to vector<680x128xi32>
    %convert_element_type3A_138 = arith.sitofp %convert_element_type3A_137 : vector<680x128xi32> to vector<680x128xf32>
    %add3A_139 = arith.constant 1.000000e+00 : f32
    %add3A_140 = vector.broadcast %add3A_139 : f32 to vector<680x128xf32>
    %add3A_141 = arith.addf %floor3A_104, %add3A_140 : vector<680x128xf32>
    %ge3A_142 = arith.constant 0.000000e+00 : f32
    %ge3A_143 = vector.broadcast %ge3A_142 : f32 to vector<680x128xf32>
    %ge3A_144 = arith.cmpf oge, %add3A_141, %ge3A_143 : vector<680x128xf32>
    %add3A_145 = arith.constant 1.000000e+00 : f32
    %add3A_146 = vector.broadcast %add3A_145 : f32 to vector<680x128xf32>
    %add3A_147 = arith.addf %floor3A_104, %add3A_146 : vector<680x128xf32>
    %le3A_148 = vector.broadcast %get3A_94 : vector<1x128xf32> to vector<680x128xf32>
    %le3A_149 = arith.cmpf ole, %add3A_147, %le3A_148 : vector<680x128xf32>
    %and3A_150 = arith.andi %ge3A_144, %le3A_149 : vector<680x128xi1>
    %convert_element_type3A_151 = arith.extui %and3A_150 : vector<680x128xi1> to vector<680x128xi32>
    %convert_element_type3A_152 = arith.sitofp %convert_element_type3A_151 : vector<680x128xi32> to vector<680x128xf32>
    %convert_element_type3A_153 = arith.fptosi %floor3A : vector<680x128xf32> to vector<680x128xi32>
    %convert_element_type3A_154 = arith.fptosi %floor3A_104 : vector<680x128xf32> to vector<680x128xi32>
    %broadcast_in_dim3A = arith.constant 0 : i32
    %broadcast_in_dim3A_155 = vector.broadcast %broadcast_in_dim3A : i32 to vector<680x128xi32>
    %get3A_156 = arith.constant 1 : index
    %get3A_157 = arith.constant 0 : index
    %get3A_158 = vector.load %arg18[%get3A_156, %get3A_157] : memref<5x128xi32, #tpu.memory_space<vmem>>, vector<1x128xi32>
    %get3A_159 = arith.constant 2 : index
    %get3A_160 = arith.constant 0 : index
    %get3A_161 = vector.load %arg18[%get3A_159, %get3A_160] : memref<5x128xi32, #tpu.memory_space<vmem>>, vector<1x128xi32>
    %max3A = arith.maxsi %broadcast_in_dim3A_155, %convert_element_type3A_153 : vector<680x128xi32>
    %min3A = vector.broadcast %get3A_158 : vector<1x128xi32> to vector<680x128xi32>
    %min3A_162 = arith.minsi %min3A, %max3A : vector<680x128xi32>
    %add3A_163 = arith.constant 1 : i32
    %add3A_164 = vector.broadcast %add3A_163 : i32 to vector<680x128xi32>
    %add3A_165 = arith.addi %convert_element_type3A_153, %add3A_164 : vector<680x128xi32>
    %max3A_166 = arith.maxsi %broadcast_in_dim3A_155, %add3A_165 : vector<680x128xi32>
    %min3A_167 = vector.broadcast %get3A_158 : vector<1x128xi32> to vector<680x128xi32>
    %min3A_168 = arith.minsi %min3A_167, %max3A_166 : vector<680x128xi32>
    %max3A_169 = arith.maxsi %broadcast_in_dim3A_155, %convert_element_type3A_154 : vector<680x128xi32>
    %min3A_170 = vector.broadcast %get3A_161 : vector<1x128xi32> to vector<680x128xi32>
    %min3A_171 = arith.minsi %min3A_170, %max3A_169 : vector<680x128xi32>
    %add3A_172 = arith.constant 1 : i32
    %add3A_173 = vector.broadcast %add3A_172 : i32 to vector<680x128xi32>
    %add3A_174 = arith.addi %convert_element_type3A_154, %add3A_173 : vector<680x128xi32>
    %max3A_175 = arith.maxsi %broadcast_in_dim3A_155, %add3A_174 : vector<680x128xi32>
    %min3A_176 = vector.broadcast %get3A_161 : vector<1x128xi32> to vector<680x128xi32>
    %min3A_177 = arith.minsi %min3A_176, %max3A_175 : vector<680x128xi32>
    %mul3A_178 = arith.constant 43520 : i32
    %mul3A_179 = arith.muli %arg0, %mul3A_178 : i32
    %get3A_180 = arith.constant 4 : index
    %get3A_181 = arith.constant 0 : index
    %get3A_182 = vector.load %arg18[%get3A_180, %get3A_181] : memref<5x128xi32, #tpu.memory_space<vmem>>, vector<1x128xi32>
    %add3A_183 = vector.broadcast %mul3A_179 : i32 to vector<1x128xi32>
    %add3A_184 = arith.addi %add3A_183, %get3A_182 : vector<1x128xi32>
    %get3A_185 = arith.constant 3 : index
    %get3A_186 = arith.constant 0 : index
    %get3A_187 = vector.load %arg18[%get3A_185, %get3A_186] : memref<5x128xi32, #tpu.memory_space<vmem>>, vector<1x128xi32>
    %get3A_188 = arith.constant 0 : index
    %get3A_189 = arith.constant 0 : index
    %get3A_190 = vector.load %arg18[%get3A_188, %get3A_189] : memref<5x128xi32, #tpu.memory_space<vmem>>, vector<1x128xi32>
    %mul3A_191 = vector.broadcast %get3A_190 : vector<1x128xi32> to vector<680x128xi32>
    %mul3A_192 = arith.muli %min3A_171, %mul3A_191 : vector<680x128xi32>
    %add3A_193 = vector.broadcast %get3A_187 : vector<1x128xi32> to vector<680x128xi32>
    %add3A_194 = arith.addi %add3A_193, %mul3A_192 : vector<680x128xi32>
    %add3A_195 = arith.addi %add3A_194, %min3A_162 : vector<680x128xi32>
    %mul3A_196 = arith.constant 8 : i32
    %mul3A_197 = vector.broadcast %mul3A_196 : i32 to vector<680x128xi32>
    %mul3A_198 = arith.muli %add3A_195, %mul3A_197 : vector<680x128xi32>
    %add3A_199 = vector.broadcast %add3A_184 : vector<1x128xi32> to vector<680x128xi32>
    %add3A_200 = arith.addi %mul3A_198, %add3A_199 : vector<680x128xi32>
    %swap3A_201 = arith.constant 0 : index
    %swap3A_202 = arith.constant 0 : index
    %swap3A_203 = arith.constant 0 : index
    %swap3A_204 = arith.constant 0 : index
    %swap3A_205 = vector.load %arg21[%swap3A_201, %swap3A_202, %swap3A_203, %swap3A_204] : memref<1x4x680x128xi32, #tpu.memory_space<vmem>>, vector<1x1x680x128xi32>
    %swap3A_206 = vector.shape_cast %swap3A_205 : vector<1x1x680x128xi32> to vector<680x128xi32>
    %swap3A_207 = vector.shape_cast %add3A_200 : vector<680x128xi32> to vector<1x1x680x128xi32>
    tpu.vector_store %arg21[%swap3A_201, %swap3A_202, %swap3A_203, %swap3A_204], %swap3A_207 {strides = array<i32>} : memref<1x4x680x128xi32, #tpu.memory_space<vmem>>, vector<1x1x680x128xi32>,
    %mul3A_208 = vector.broadcast %get3A_190 : vector<1x128xi32> to vector<680x128xi32>
    %mul3A_209 = arith.muli %min3A_171, %mul3A_208 : vector<680x128xi32>
    %add3A_210 = vector.broadcast %get3A_187 : vector<1x128xi32> to vector<680x128xi32>
    %add3A_211 = arith.addi %add3A_210, %mul3A_209 : vector<680x128xi32>
    %add3A_212 = arith.addi %add3A_211, %min3A_168 : vector<680x128xi32>
    %mul3A_213 = arith.constant 8 : i32
    %mul3A_214 = vector.broadcast %mul3A_213 : i32 to vector<680x128xi32>
    %mul3A_215 = arith.muli %add3A_212, %mul3A_214 : vector<680x128xi32>
    %add3A_216 = vector.broadcast %add3A_184 : vector<1x128xi32> to vector<680x128xi32>
    %add3A_217 = arith.addi %mul3A_215, %add3A_216 : vector<680x128xi32>
    %swap3A_218 = arith.constant 0 : index
    %swap3A_219 = arith.constant 1 : index
    %swap3A_220 = arith.constant 0 : index
    %swap3A_221 = arith.constant 0 : index
    %swap3A_222 = vector.load %arg21[%swap3A_218, %swap3A_219, %swap3A_220, %swap3A_221] : memref<1x4x680x128xi32, #tpu.memory_space<vmem>>, vector<1x1x680x128xi32>
    %swap3A_223 = vector.shape_cast %swap3A_222 : vector<1x1x680x128xi32> to vector<680x128xi32>
    %swap3A_224 = vector.shape_cast %add3A_217 : vector<680x128xi32> to vector<1x1x680x128xi32>
    tpu.vector_store %arg21[%swap3A_218, %swap3A_219, %swap3A_220, %swap3A_221], %swap3A_224 {strides = array<i32>} : memref<1x4x680x128xi32, #tpu.memory_space<vmem>>, vector<1x1x680x128xi32>,
    %mul3A_225 = vector.broadcast %get3A_190 : vector<1x128xi32> to vector<680x128xi32>
    %mul3A_226 = arith.muli %min3A_177, %mul3A_225 : vector<680x128xi32>
    %add3A_227 = vector.broadcast %get3A_187 : vector<1x128xi32> to vector<680x128xi32>
    %add3A_228 = arith.addi %add3A_227, %mul3A_226 : vector<680x128xi32>
    %add3A_229 = arith.addi %add3A_228, %min3A_162 : vector<680x128xi32>
    %mul3A_230 = arith.constant 8 : i32
    %mul3A_231 = vector.broadcast %mul3A_230 : i32 to vector<680x128xi32>
    %mul3A_232 = arith.muli %add3A_229, %mul3A_231 : vector<680x128xi32>
    %add3A_233 = vector.broadcast %add3A_184 : vector<1x128xi32> to vector<680x128xi32>
    %add3A_234 = arith.addi %mul3A_232, %add3A_233 : vector<680x128xi32>
    %swap3A_235 = arith.constant 0 : index
    %swap3A_236 = arith.constant 2 : index
    %swap3A_237 = arith.constant 0 : index
    %swap3A_238 = arith.constant 0 : index
    %swap3A_239 = vector.load %arg21[%swap3A_235, %swap3A_236, %swap3A_237, %swap3A_238] : memref<1x4x680x128xi32, #tpu.memory_space<vmem>>, vector<1x1x680x128xi32>
    %swap3A_240 = vector.shape_cast %swap3A_239 : vector<1x1x680x128xi32> to vector<680x128xi32>
    %swap3A_241 = vector.shape_cast %add3A_234 : vector<680x128xi32> to vector<1x1x680x128xi32>
    tpu.vector_store %arg21[%swap3A_235, %swap3A_236, %swap3A_237, %swap3A_238], %swap3A_241 {strides = array<i32>} : memref<1x4x680x128xi32, #tpu.memory_space<vmem>>, vector<1x1x680x128xi32>,
    %mul3A_242 = vector.broadcast %get3A_190 : vector<1x128xi32> to vector<680x128xi32>
    %mul3A_243 = arith.muli %min3A_177, %mul3A_242 : vector<680x128xi32>
    %add3A_244 = vector.broadcast %get3A_187 : vector<1x128xi32> to vector<680x128xi32>
    %add3A_245 = arith.addi %add3A_244, %mul3A_243 : vector<680x128xi32>
    %add3A_246 = arith.addi %add3A_245, %min3A_168 : vector<680x128xi32>
    %mul3A_247 = arith.constant 8 : i32
    %mul3A_248 = vector.broadcast %mul3A_247 : i32 to vector<680x128xi32>
    %mul3A_249 = arith.muli %add3A_246, %mul3A_248 : vector<680x128xi32>
    %add3A_250 = vector.broadcast %add3A_184 : vector<1x128xi32> to vector<680x128xi32>
    %add3A_251 = arith.addi %mul3A_249, %add3A_250 : vector<680x128xi32>
    %swap3A_252 = arith.constant 0 : index
    %swap3A_253 = arith.constant 3 : index
    %swap3A_254 = arith.constant 0 : index
    %swap3A_255 = arith.constant 0 : index
    %swap3A_256 = vector.load %arg21[%swap3A_252, %swap3A_253, %swap3A_254, %swap3A_255] : memref<1x4x680x128xi32, #tpu.memory_space<vmem>>, vector<1x1x680x128xi32>
    %swap3A_257 = vector.shape_cast %swap3A_256 : vector<1x1x680x128xi32> to vector<680x128xi32>
    %swap3A_258 = vector.shape_cast %add3A_251 : vector<680x128xi32> to vector<1x1x680x128xi32>
    tpu.vector_store %arg21[%swap3A_252, %swap3A_253, %swap3A_254, %swap3A_255], %swap3A_258 {strides = array<i32>} : memref<1x4x680x128xi32, #tpu.memory_space<vmem>>, vector<1x1x680x128xi32>,
    %mul3A_259 = arith.mulf %sub3A_109, %sub3A_112 : vector<680x128xf32>
    %mul3A_260 = arith.mulf %mul3A_259, %convert_element_type3A_116 : vector<680x128xf32>
    %mul3A_261 = arith.mulf %mul3A_260, %convert_element_type3A_138 : vector<680x128xf32>
    %mul3A_262 = arith.mulf %mul3A_261, %div3A : vector<680x128xf32>
    %swap3A_263 = arith.constant 0 : index
    %swap3A_264 = arith.constant 0 : index
    %swap3A_265 = arith.constant 0 : index
    %swap3A_266 = arith.constant 0 : index
    %swap3A_267 = vector.load %arg22[%swap3A_263, %swap3A_264, %swap3A_265, %swap3A_266] : memref<1x4x680x128xf32, #tpu.memory_space<vmem>>, vector<1x1x680x128xf32>
    %swap3A_268 = vector.shape_cast %swap3A_267 : vector<1x1x680x128xf32> to vector<680x128xf32>
    %swap3A_269 = vector.shape_cast %mul3A_262 : vector<680x128xf32> to vector<1x1x680x128xf32>
    tpu.vector_store %arg22[%swap3A_263, %swap3A_264, %swap3A_265, %swap3A_266], %swap3A_269 {strides = array<i32>} : memref<1x4x680x128xf32, #tpu.memory_space<vmem>>, vector<1x1x680x128xf32>,
    %mul3A_270 = arith.mulf %sub3A_105, %sub3A_112 : vector<680x128xf32>
    %mul3A_271 = arith.mulf %mul3A_270, %convert_element_type3A_130 : vector<680x128xf32>
    %mul3A_272 = arith.mulf %mul3A_271, %convert_element_type3A_138 : vector<680x128xf32>
    %mul3A_273 = arith.mulf %mul3A_272, %div3A : vector<680x128xf32>
    %swap3A_274 = arith.constant 0 : index
    %swap3A_275 = arith.constant 1 : index
    %swap3A_276 = arith.constant 0 : index
    %swap3A_277 = arith.constant 0 : index
    %swap3A_278 = vector.load %arg22[%swap3A_274, %swap3A_275, %swap3A_276, %swap3A_277] : memref<1x4x680x128xf32, #tpu.memory_space<vmem>>, vector<1x1x680x128xf32>
    %swap3A_279 = vector.shape_cast %swap3A_278 : vector<1x1x680x128xf32> to vector<680x128xf32>
    %swap3A_280 = vector.shape_cast %mul3A_273 : vector<680x128xf32> to vector<1x1x680x128xf32>
    tpu.vector_store %arg22[%swap3A_274, %swap3A_275, %swap3A_276, %swap3A_277], %swap3A_280 {strides = array<i32>} : memref<1x4x680x128xf32, #tpu.memory_space<vmem>>, vector<1x1x680x128xf32>,
    %mul3A_281 = arith.mulf %sub3A_109, %sub3A_106 : vector<680x128xf32>
    %mul3A_282 = arith.mulf %mul3A_281, %convert_element_type3A_116 : vector<680x128xf32>
    %mul3A_283 = arith.mulf %mul3A_282, %convert_element_type3A_152 : vector<680x128xf32>
    %mul3A_284 = arith.mulf %mul3A_283, %div3A : vector<680x128xf32>
    %swap3A_285 = arith.constant 0 : index
    %swap3A_286 = arith.constant 2 : index
    %swap3A_287 = arith.constant 0 : index
    %swap3A_288 = arith.constant 0 : index
    %swap3A_289 = vector.load %arg22[%swap3A_285, %swap3A_286, %swap3A_287, %swap3A_288] : memref<1x4x680x128xf32, #tpu.memory_space<vmem>>, vector<1x1x680x128xf32>
    %swap3A_290 = vector.shape_cast %swap3A_289 : vector<1x1x680x128xf32> to vector<680x128xf32>
    %swap3A_291 = vector.shape_cast %mul3A_284 : vector<680x128xf32> to vector<1x1x680x128xf32>
    tpu.vector_store %arg22[%swap3A_285, %swap3A_286, %swap3A_287, %swap3A_288], %swap3A_291 {strides = array<i32>} : memref<1x4x680x128xf32, #tpu.memory_space<vmem>>, vector<1x1x680x128xf32>,
    %mul3A_292 = arith.mulf %sub3A_105, %sub3A_106 : vector<680x128xf32>
    %mul3A_293 = arith.mulf %mul3A_292, %convert_element_type3A_130 : vector<680x128xf32>
    %mul3A_294 = arith.mulf %mul3A_293, %convert_element_type3A_152 : vector<680x128xf32>
    %mul3A_295 = arith.mulf %mul3A_294, %div3A : vector<680x128xf32>
    %swap3A_296 = arith.constant 0 : index
    %swap3A_297 = arith.constant 3 : index
    %swap3A_298 = arith.constant 0 : index
    %swap3A_299 = arith.constant 0 : index
    %swap3A_300 = vector.load %arg22[%swap3A_296, %swap3A_297, %swap3A_298, %swap3A_299] : memref<1x4x680x128xf32, #tpu.memory_space<vmem>>, vector<1x1x680x128xf32>
    %swap3A_301 = vector.shape_cast %swap3A_300 : vector<1x1x680x128xf32> to vector<680x128xf32>
    %swap3A_302 = vector.shape_cast %mul3A_295 : vector<680x128xf32> to vector<1x1x680x128xf32>
    tpu.vector_store %arg22[%swap3A_296, %swap3A_297, %swap3A_298, %swap3A_299], %swap3A_302 {strides = array<i32>} : memref<1x4x680x128xf32, #tpu.memory_space<vmem>>, vector<1x1x680x128xf32>,
    return
  }
  func.func @transform_0(%arg0: i32, %arg1: i32) -> (i32, i32, i32) {
    %c0_i32 = arith.constant 0 : i32
    %c0_i32_0 = arith.constant 0 : i32
    return %arg0, %arg1, %c0_i32 : i32, i32, i32
  }
  func.func @transform_1(%arg0: i32, %arg1: i32) -> (i32, i32, i32) {
    %c0_i32 = arith.constant 0 : i32
    %c0_i32_0 = arith.constant 0 : i32
    return %arg0, %arg1, %c0_i32 : i32, i32, i32
  }
  func.func @transform_2(%arg0: i32, %arg1: i32) -> (i32, i32, i32) {
    %c0_i32 = arith.constant 0 : i32
    %c0_i32_0 = arith.constant 0 : i32
    return %arg0, %arg1, %c0_i32 : i32, i32, i32
  }
  func.func @transform_3(%arg0: i32, %arg1: i32) -> (i32, i32) {
    %c0_i32 = arith.constant 0 : i32
    %c0_i32_0 = arith.constant 0 : i32
    %c0_i32_1 = arith.constant 0 : i32
    return %c0_i32, %c0_i32_0 : i32, i32
  }
  func.func @transform_4(%arg0: i32, %arg1: i32) -> (i32, i32) {
    %c0_i32 = arith.constant 0 : i32
    %c0_i32_0 = arith.constant 0 : i32
    %c0_i32_1 = arith.constant 0 : i32
    return %c0_i32, %c0_i32_0 : i32, i32
  }
  func.func @transform_5(%arg0: i32, %arg1: i32) -> (i32, i32) {
    %c0_i32 = arith.constant 0 : i32
    %c0_i32_0 = arith.constant 0 : i32
    %c0_i32_1 = arith.constant 0 : i32
    return %c0_i32, %c0_i32_0 : i32, i32
  }
  func.func @transform_6(%arg0: i32, %arg1: i32) -> (i32, i32) {
    %c0_i32 = arith.constant 0 : i32
    %c0_i32_0 = arith.constant 0 : i32
    %c0_i32_1 = arith.constant 0 : i32
    return %c0_i32, %c0_i32_0 : i32, i32
  }
  func.func @transform_7(%arg0: i32, %arg1: i32) -> (i32, i32) {
    %c0_i32 = arith.constant 0 : i32
    %c0_i32_0 = arith.constant 0 : i32
    %c0_i32_1 = arith.constant 0 : i32
    return %c0_i32, %c0_i32_0 : i32, i32
  }
  func.func @transform_8(%arg0: i32, %arg1: i32) -> (i32, i32) {
    %c0_i32 = arith.constant 0 : i32
    %c0_i32_0 = arith.constant 0 : i32
    %c0_i32_1 = arith.constant 0 : i32
    return %c0_i32, %c0_i32_0 : i32, i32
  }
  func.func @transform_9(%arg0: i32, %arg1: i32) -> (i32, i32) {
    %c0_i32 = arith.constant 0 : i32
    %c0_i32_0 = arith.constant 0 : i32
    %c0_i32_1 = arith.constant 0 : i32
    return %c0_i32, %c0_i32_0 : i32, i32
  }
  func.func @transform_10(%arg0: i32, %arg1: i32) -> (i32, i32) {
    %c0_i32 = arith.constant 0 : i32
    %c0_i32_0 = arith.constant 0 : i32
    %c0_i32_1 = arith.constant 0 : i32
    return %c0_i32, %c0_i32_0 : i32, i32
  }
  func.func @transform_11(%arg0: i32, %arg1: i32) -> (i32, i32) {
    %c0_i32 = arith.constant 0 : i32
    %c0_i32_0 = arith.constant 0 : i32
    %c0_i32_1 = arith.constant 0 : i32
    return %c0_i32, %c0_i32_0 : i32, i32
  }
  func.func @transform_12(%arg0: i32, %arg1: i32) -> (i32, i32) {
    %c0_i32 = arith.constant 0 : i32
    %c0_i32_0 = arith.constant 0 : i32
    %c0_i32_1 = arith.constant 0 : i32
    return %c0_i32, %c0_i32_0 : i32, i32
  }
  func.func @transform_13(%arg0: i32, %arg1: i32) -> (i32, i32) {
    %c0_i32 = arith.constant 0 : i32
    %c0_i32_0 = arith.constant 0 : i32
    %c0_i32_1 = arith.constant 0 : i32
    return %c0_i32, %c0_i32_0 : i32, i32
  }
  func.func @transform_14(%arg0: i32, %arg1: i32) -> (i32, i32) {
    %c0_i32 = arith.constant 0 : i32
    %c0_i32_0 = arith.constant 0 : i32
    %c0_i32_1 = arith.constant 0 : i32
    return %c0_i32, %c0_i32_0 : i32, i32
  }
  func.func @transform_15(%arg0: i32, %arg1: i32) -> (i32, i32) {
    %c0_i32 = arith.constant 0 : i32
    %c0_i32_0 = arith.constant 0 : i32
    %c0_i32_1 = arith.constant 0 : i32
    return %c0_i32, %c0_i32_0 : i32, i32
  }
  func.func @transform_16(%arg0: i32, %arg1: i32) -> (i32, i32) {
    %c0_i32 = arith.constant 0 : i32
    %c0_i32_0 = arith.constant 0 : i32
    %c0_i32_1 = arith.constant 0 : i32
    return %c0_i32, %c0_i32_0 : i32, i32
  }
  func.func @transform_17(%arg0: i32, %arg1: i32) -> (i32, i32, i32) {
    %c0_i32 = arith.constant 0 : i32
    %c0_i32_0 = arith.constant 0 : i32
    return %arg0, %arg1, %c0_i32 : i32, i32, i32
  }
  func.func @transform_18(%arg0: i32, %arg1: i32) -> (i32, i32, i32) {
    %c0_i32 = arith.constant 0 : i32
    %c0_i32_0 = arith.constant 0 : i32
    return %arg0, %arg1, %c0_i32 : i32, i32, i32
  }
  func.func @transform_19(%arg0: i32, %arg1: i32) -> (i32, i32, i32, i32) {
    %c0_i32 = arith.constant 0 : i32
    %c0_i32_0 = arith.constant 0 : i32
    %c0_i32_1 = arith.constant 0 : i32
    return %arg0, %c0_i32, %arg1, %c0_i32_0 : i32, i32, i32, i32
  }
  func.func @transform_20(%arg0: i32, %arg1: i32) -> (i32, i32, i32, i32) {
    %c0_i32 = arith.constant 0 : i32
    %c0_i32_0 = arith.constant 0 : i32
    %c0_i32_1 = arith.constant 0 : i32
    return %arg0, %c0_i32, %arg1, %c0_i32_0 : i32, i32, i32, i32
  }
}

module attributes {stable_mosaic.version = 14 : i64} {
  func.func @_kernel_ws(%arg0: i32, %arg1: memref<512x2048xf32, #tpu.memory_space<vmem>>, %arg2: memref<512x64xf32, #tpu.memory_space<vmem>>, %arg3: memref<64x2048xf32, #tpu.memory_space<vmem>>, %arg4: memref<512x32xf32, #tpu.memory_space<vmem>>) attributes {dimension_semantics = [#tpu.dimension_semantics<arbitrary>], iteration_bounds = array<i64: 340>, scalar_prefetch = 0 : i64, scratch_operands = 0 : i64, tpu.core_type = #tpu.core_type<tc>, window_params = [{transform_indices = @transform_0, window_bounds = array<i64: 512, 2048>}, {transform_indices = @transform_1, window_bounds = array<i64: 512, 64>}, {pipeline_mode = #tpu.pipeline_mode<synchronous>, transform_indices = @transform_2, window_bounds = array<i64: 64, 2048>}, {transform_indices = @transform_3, window_bounds = array<i64: 512, 32>}]} {
    %get3A = arith.constant 0 : index
    %get3A_0 = arith.constant 0 : index
    %get3A_1 = vector.load %arg1[%get3A, %get3A_0] : memref<512x2048xf32, #tpu.memory_space<vmem>>, vector<512x2048xf32>
    %get3A_2 = arith.constant 0 : index
    %get3A_3 = arith.constant 0 : index
    %get3A_4 = vector.load %arg2[%get3A_2, %get3A_3] : memref<512x64xf32, #tpu.memory_space<vmem>>, vector<512x64xf32>
    %get3A_5 = arith.constant 0 : index
    %get3A_6 = arith.constant 0 : index
    %get3A_7 = vector.load %arg3[%get3A_5, %get3A_6] : memref<64x2048xf32, #tpu.memory_space<vmem>>, vector<64x2048xf32>
    %dot_general3A = arith.constant dense<0.000000e+00> : vector<512x2048xf32>
    %dot_general3A_8 = tpu.matmul %get3A_4, %get3A_7, %dot_general3A {dimension_numbers = #tpu.dot_dimension_numbers<[1], [0], [0], [1], [0, 0, 1, 1], [], []>, precision = #tpu.contract_precision<fp32>, transpose_lhs_hint = false} : vector<512x64xf32>, vector<64x2048xf32>, vector<512x2048xf32> -> vector<512x2048xf32>
    %mul3A = arith.mulf %get3A_1, %dot_general3A_8 : vector<512x2048xf32>
    %slice3A = vector.extract_strided_slice %mul3A {offsets = [0, 0], sizes = [512, 1024], strides = [1, 1]} : vector<512x2048xf32> to vector<512x1024xf32>
    %slice3A_9 = vector.extract_strided_slice %mul3A {offsets = [0, 1024], sizes = [512, 1024], strides = [1, 1]} : vector<512x2048xf32> to vector<512x1024xf32>
    %add3A = arith.addf %slice3A, %slice3A_9 : vector<512x1024xf32>
    %slice3A_10 = vector.extract_strided_slice %add3A {offsets = [0, 0], sizes = [512, 512], strides = [1, 1]} : vector<512x1024xf32> to vector<512x512xf32>
    %slice3A_11 = vector.extract_strided_slice %add3A {offsets = [0, 512], sizes = [512, 512], strides = [1, 1]} : vector<512x1024xf32> to vector<512x512xf32>
    %add3A_12 = arith.addf %slice3A_10, %slice3A_11 : vector<512x512xf32>
    %slice3A_13 = vector.extract_strided_slice %add3A_12 {offsets = [0, 0], sizes = [512, 256], strides = [1, 1]} : vector<512x512xf32> to vector<512x256xf32>
    %slice3A_14 = vector.extract_strided_slice %add3A_12 {offsets = [0, 256], sizes = [512, 256], strides = [1, 1]} : vector<512x512xf32> to vector<512x256xf32>
    %add3A_15 = arith.addf %slice3A_13, %slice3A_14 : vector<512x256xf32>
    %slice3A_16 = vector.extract_strided_slice %add3A_15 {offsets = [0, 0], sizes = [512, 128], strides = [1, 1]} : vector<512x256xf32> to vector<512x128xf32>
    %slice3A_17 = vector.extract_strided_slice %add3A_15 {offsets = [0, 128], sizes = [512, 128], strides = [1, 1]} : vector<512x256xf32> to vector<512x128xf32>
    %add3A_18 = arith.addf %slice3A_16, %slice3A_17 : vector<512x128xf32>
    %slice3A_19 = vector.extract_strided_slice %add3A_18 {offsets = [0, 0], sizes = [512, 64], strides = [1, 1]} : vector<512x128xf32> to vector<512x64xf32>
    %slice3A_20 = vector.extract_strided_slice %add3A_18 {offsets = [0, 64], sizes = [512, 64], strides = [1, 1]} : vector<512x128xf32> to vector<512x64xf32>
    %add3A_21 = arith.addf %slice3A_19, %slice3A_20 : vector<512x64xf32>
    %slice3A_22 = vector.extract_strided_slice %add3A_21 {offsets = [0, 0], sizes = [512, 32], strides = [1, 1]} : vector<512x64xf32> to vector<512x32xf32>
    %slice3A_23 = vector.extract_strided_slice %add3A_21 {offsets = [0, 32], sizes = [512, 32], strides = [1, 1]} : vector<512x64xf32> to vector<512x32xf32>
    %add3A_24 = arith.addf %slice3A_22, %slice3A_23 : vector<512x32xf32>
    %swap3A = arith.constant 0 : index
    %swap3A_25 = arith.constant 0 : index
    %swap3A_26 = vector.load %arg4[%swap3A, %swap3A_25] : memref<512x32xf32, #tpu.memory_space<vmem>>, vector<512x32xf32>
    tpu.vector_store %arg4[%swap3A, %swap3A_25], %add3A_24 {strides = array<i32>} : memref<512x32xf32, #tpu.memory_space<vmem>>, vector<512x32xf32>,
    return
  }
  func.func @transform_0(%arg0: i32) -> (i32, i32) {
    %c0_i32 = arith.constant 0 : i32
    %c0_i32_0 = arith.constant 0 : i32
    return %arg0, %c0_i32 : i32, i32
  }
  func.func @transform_1(%arg0: i32) -> (i32, i32) {
    %c0_i32 = arith.constant 0 : i32
    %c0_i32_0 = arith.constant 0 : i32
    return %arg0, %c0_i32 : i32, i32
  }
  func.func @transform_2(%arg0: i32) -> (i32, i32) {
    %c0_i32 = arith.constant 0 : i32
    %c0_i32_0 = arith.constant 0 : i32
    %c0_i32_1 = arith.constant 0 : i32
    return %c0_i32, %c0_i32_0 : i32, i32
  }
  func.func @transform_3(%arg0: i32) -> (i32, i32) {
    %c0_i32 = arith.constant 0 : i32
    %c0_i32_0 = arith.constant 0 : i32
    return %arg0, %c0_i32 : i32, i32
  }
}

module attributes {stable_mosaic.version = 14 : i64} {
  func.func @_kernel_c(%arg0: i32, %arg1: i32, %arg2: memref<1x680x256xf32, #tpu.memory_space<vmem>>, %arg3: memref<256x256xf32, #tpu.memory_space<vmem>>, %arg4: memref<1x256xf32, #tpu.memory_space<vmem>>, %arg5: memref<1x680x256xf32, #tpu.memory_space<vmem>>) attributes {dimension_semantics = [#tpu.dimension_semantics<arbitrary>, #tpu.dimension_semantics<arbitrary>], iteration_bounds = array<i64: 4, 8>, scalar_prefetch = 0 : i64, scratch_operands = 0 : i64, tpu.core_type = #tpu.core_type<tc>, window_params = [{transform_indices = @transform_0, window_bounds = array<i64: 1, 680, 256>}, {pipeline_mode = #tpu.pipeline_mode<synchronous>, transform_indices = @transform_1, window_bounds = array<i64: 256, 256>}, {pipeline_mode = #tpu.pipeline_mode<synchronous>, transform_indices = @transform_2, window_bounds = array<i64: 1, 256>}, {transform_indices = @transform_3, window_bounds = array<i64: 1, 680, 256>}]} {
    %get3A = arith.constant 0 : index
    %get3A_0 = arith.constant 0 : index
    %get3A_1 = arith.constant 0 : index
    %get3A_2 = vector.load %arg2[%get3A, %get3A_0, %get3A_1] : memref<1x680x256xf32, #tpu.memory_space<vmem>>, vector<1x680x256xf32>
    %get3A_3 = vector.shape_cast %get3A_2 : vector<1x680x256xf32> to vector<680x256xf32>
    %get3A_4 = arith.constant 0 : index
    %get3A_5 = arith.constant 0 : index
    %get3A_6 = vector.load %arg3[%get3A_4, %get3A_5] : memref<256x256xf32, #tpu.memory_space<vmem>>, vector<256x256xf32>
    %dot_general3A = arith.constant dense<0.000000e+00> : vector<680x256xf32>
    %dot_general3A_7 = tpu.matmul %get3A_3, %get3A_6, %dot_general3A {dimension_numbers = #tpu.dot_dimension_numbers<[1], [0], [0], [1], [0, 0, 1, 1], [], []>, precision = #tpu.contract_precision<fp32>, transpose_lhs_hint = false} : vector<680x256xf32>, vector<256x256xf32>, vector<680x256xf32> -> vector<680x256xf32>
    %get3A_8 = arith.constant 0 : index
    %get3A_9 = arith.constant 0 : index
    %get3A_10 = vector.load %arg4[%get3A_8, %get3A_9] : memref<1x256xf32, #tpu.memory_space<vmem>>, vector<1x256xf32>
    %add3A = vector.broadcast %get3A_10 : vector<1x256xf32> to vector<680x256xf32>
    %add3A_11 = arith.addf %dot_general3A_7, %add3A : vector<680x256xf32>
    %swap3A = arith.constant 0 : index
    %swap3A_12 = arith.constant 0 : index
    %swap3A_13 = arith.constant 0 : index
    %swap3A_14 = vector.load %arg5[%swap3A, %swap3A_12, %swap3A_13] : memref<1x680x256xf32, #tpu.memory_space<vmem>>, vector<1x680x256xf32>
    %swap3A_15 = vector.shape_cast %swap3A_14 : vector<1x680x256xf32> to vector<680x256xf32>
    %swap3A_16 = vector.shape_cast %add3A_11 : vector<680x256xf32> to vector<1x680x256xf32>
    tpu.vector_store %arg5[%swap3A, %swap3A_12, %swap3A_13], %swap3A_16 {strides = array<i32>} : memref<1x680x256xf32, #tpu.memory_space<vmem>>, vector<1x680x256xf32>,
    return
  }
  func.func @transform_0(%arg0: i32, %arg1: i32) -> (i32, i32, i32) {
    %c0_i32 = arith.constant 0 : i32
    %c0_i32_0 = arith.constant 0 : i32
    return %arg0, %arg1, %c0_i32 : i32, i32, i32
  }
  func.func @transform_1(%arg0: i32, %arg1: i32) -> (i32, i32) {
    %c0_i32 = arith.constant 0 : i32
    %c0_i32_0 = arith.constant 0 : i32
    %c0_i32_1 = arith.constant 0 : i32
    return %c0_i32, %c0_i32_0 : i32, i32
  }
  func.func @transform_2(%arg0: i32, %arg1: i32) -> (i32, i32) {
    %c0_i32 = arith.constant 0 : i32
    %c0_i32_0 = arith.constant 0 : i32
    %c0_i32_1 = arith.constant 0 : i32
    return %c0_i32, %c0_i32_0 : i32, i32
  }
  func.func @transform_3(%arg0: i32, %arg1: i32) -> (i32, i32, i32) {
    %c0_i32 = arith.constant 0 : i32
    %c0_i32_0 = arith.constant 0 : i32
    return %arg0, %arg1, %c0_i32 : i32, i32, i32
  }
}

</mosaic_0001>

<sc_bundles>
// kernel: kernel.6.cloned.1.call-start
scs
__scs_entry_jumppad:
0x0: {  	(pc) =	sbr.rel $0x88, $3  }
0x1: {  	(tag) =	ssettag $0x0;
	lr =	simm.s32 $0x1  }
0x2: {  	[smem:$0x3F96] =	sst lr;
	_ =	strace $0xD0000000  }
0x3: {  	_ = 	snop  }
0x4: {  	_ = 	snop  }
0x5: {  	_ = 	snop  }
0x6: {  	_ = 	snop  }
0x7: {  	_ = 	snop  }
__scs_overlays_trampoline_lowered:
0x8: {  	[smem:$0x3FA5] =	sst s0  }
0x9: {  	[smem:$0x3FA6] =	sst s1  }
0xa: {  	[smem:$0x3FA7] =	sst s2  }
0xb: {  	[smem:$0x3FA8] =	sst s3  }
0xc: {  	[smem:$0x3FA9] =	sst s4  }
0xd: {  	[smem:$0x3FAA] =	sst s5  }
0xe: {  	[smem:$0x3FAB] =	sst s6  }
0xf: {  	[smem:$0x3FAC] =	sst s7  }
0x10: {  	[smem:$0x3FAD] =	sst s8  }
0x11: {  	[smem:$0x3FAE] =	sst s9;
	s0 =	simm.s32 @!p0 $0x0  }
0x12: {  	s1 =	sld [smem:$0x3F94];
	s0 =	simm.s32 @p0 $0x1  }
0x13: {  	[smem:$0x3FAF] =	sst s0;
	s0 =	simm.s32 @!p1 $0x0  }
0x14: {  	s2 =	sld [smem:$0x3F93];
	s0 =	simm.s32 @p1 $0x1  }
0x15: {  	[smem:$0x3FB0] =	sst s0;
	s0 =	simm.s32 @!p2 $0x0  }
0x16: {  	s3 =	sld [smem:$0x3FDB];
	s0 =	simm.s32 @p2 $0x1  }
0x17: {  	s4 =	simm.s32 $0x1BF5;
	[smem:$0x3FB2] =	sst s0  }
0x18: {  	s0 =	sld [smem:$0x3F95];
	_ =	swait.ge [sflag:s4], $0x0  }
0x19: {  	s7 =	sld [smem:$0x3F96]  }
0x1a: {  	s8 =	sadd.s32 $0xFFFFE003, lr  }
0x1b: {  	s9 =	sadd.s32 $0xFFFFFEF7, lr;
	s5 =	simm.s32 $0xFFFFFFFF;
	p2 =	slt.u32 s8, $0xFFFFF086  }
0x1c: {  	p1 =	slt.u32 s9, $0xF7A;
	s5 =	simm.s32 @!p2 $0x0  }
0x1d: {  	s5 =	simm.s32 @p1 $0x1;
	p0 =	seq.s32 s7, s2  }
0x1e: {  	s7 =	smul.u32 @!p0 $0xF7A, s2;
	p2 =	seq.s32 @!p0 s5, $0x0  }
0x1f: {  	s9 =	smul.u32 $0xF7A, s1;
	s8 =	simm.s32 @!p0 $0x1BF5;
	p2 =	por !p2, p0  }
0x20: {  	[sflag:s8] =	ssyncset.s32 @!p0 $0xFFFFF086;
	s6 =	sadd.s32 @!p0 s3, s7;
	s7 =	simm.s32 @!p0 $0x108  }
0x21: {  	s3 =	sadd.s32 s3, s9;
	s6 =	sadd.s32 @!p0 $0x88, s6;
	s7 =	simm.s32 @p2 $0x1082  }
0x22: {  	[simem:s7], [sflag:s8] =	dma.local @!p0 [hbm:s6], $0xF7A  }
0x23: {  	s9 =	sor.u32 $0xD0000000, s2;
	s6 =	simm.s32 $0x108;
	_ =	swait.ge @!p0 [sflag:s8], $0x0  }
0x24: {  	s3 =	sadd.s32 $0x88, s3;
	s6 =	simm.s32 @!p1 $0x1082;
	[sflag:s4] =	ssyncset.s32 $0xFFFFF086  }
0x25: {  	[simem:s6], [sflag:s4] =	dma.local [hbm:s3], $0xF7A  }
0x26: {  	[smem:$0x3F96] =	sst s1;
	(tag) =	ssettag s2;
	_ =	strace s9  }
0x27: {  	s1 =	sld [smem:$0x3FA6]  }
0x28: {  	s2 =	sld [smem:$0x3FA7]  }
0x29: {  	s4 =	sld [smem:$0x3FA9]  }
0x2a: {  	p0 =	seq.s32 s5, $0x0;
	s5 =	sld [smem:$0x3FAA]  }
0x2b: {  	s6 =	sld [smem:$0x3FAB]  }
0x2c: {  	s7 =	sld [smem:$0x3FAC]  }
0x2d: {  	s3 =	simm.s32 $0x108;
	s8 =	sld [smem:$0x3FAD]  }
0x2e: {  	s3 =	simm.s32 @!p0 $0x1082;
	s9 =	sld [smem:$0x3FAE]  }
0x2f: {  	lr =	sadd.s32 s0, s3;
	s0 =	sld [smem:$0x3FA5]  }
0x30: {  	s3 =	sld [smem:$0x3FA8]  }
0x31: {  	[smem:$0x3FB1] =	sst s10  }
0x32: {  	s10 =	sld [smem:$0x3FAF];
	_ =	sdelay $0x3  }
0x33: {  	p0 =	seq.s32 s10, $0x1;
	s10 =	sld [smem:$0x3FB1];
	_ =	sdelay $0x3  }
0x34: {  	[smem:$0x3FB1] =	sst s10  }
0x35: {  	s10 =	sld [smem:$0x3FB0];
	_ =	sdelay $0x3  }
0x36: {  	p1 =	seq.s32 s10, $0x1;
	s10 =	sld [smem:$0x3FB1];
	_ =	sdelay $0x3  }
0x37: {  	[smem:$0x3FB1] =	sst s10  }
0x38: {  	s10 =	sld [smem:$0x3FB2]  }
0x39: {  	_ = 	snop;
	(pc) =	sbr.ind lr, $3  }
0x3a: {  	_ = 	snop  }
0x3b: {  	_ = 	snop  }
0x3c: {  	p2 =	seq.s32 s10, $0x1;
	s10 =	sld [smem:$0x3FB1]  }
0x3d: {  	_ =	shalt  }
0x3e: {  	_ =	shalt  }
0x3f: {  	_ =	shalt  }
0x40: {  	_ =	shalt  }
0x41: {  	_ =	shalt  }
0x42: {  	_ =	shalt  }
0x43: {  	_ =	shalt  }
0x44: {  	_ =	shalt  }
0x45: {  	_ =	shalt  }
0x46: {  	_ =	shalt  }
0x47: {  	_ =	shalt  }
0x48: {  	_ =	shalt  }
0x49: {  	_ =	shalt  }
0x4a: {  	_ =	shalt  }
0x4b: {  	_ =	shalt  }
0x4c: {  	_ =	shalt  }
0x4d: {  	_ =	shalt  }
0x4e: {  	_ =	shalt  }
0x4f: {  	_ =	shalt  }
0x50: {  	_ =	shalt  }
0x51: {  	_ =	shalt  }
0x52: {  	_ =	shalt  }
0x53: {  	_ =	shalt  }
0x54: {  	_ =	shalt  }
0x55: {  	_ =	shalt  }
0x56: {  	_ =	shalt  }
0x57: {  	_ =	shalt  }
0x58: {  	_ =	shalt  }
0x59: {  	_ =	shalt  }
0x5a: {  	_ =	shalt  }
0x5b: {  	_ =	shalt  }
0x5c: {  	_ =	shalt  }
0x5d: {  	_ =	shalt  }
0x5e: {  	_ =	shalt  }
0x5f: {  	_ =	shalt  }
0x60: {  	_ =	shalt  }
0x61: {  	_ =	shalt  }
0x62: {  	_ =	shalt  }
0x63: {  	_ =	shalt  }
0x64: {  	_ =	shalt  }
0x65: {  	_ =	shalt  }
0x66: {  	_ =	shalt  }
0x67: {  	_ =	shalt  }
0x68: {  	_ =	shalt  }
0x69: {  	_ =	shalt  }
0x6a: {  	_ =	shalt  }
0x6b: {  	_ =	shalt  }
0x6c: {  	_ =	shalt  }
0x6d: {  	_ =	shalt  }
0x6e: {  	_ =	shalt  }
0x6f: {  	_ =	shalt  }
0x70: {  	_ =	shalt  }
0x71: {  	_ =	shalt  }
0x72: {  	_ =	shalt  }
0x73: {  	_ =	shalt  }
0x74: {  	_ =	shalt  }
0x75: {  	_ =	shalt  }
0x76: {  	_ =	shalt  }
0x77: {  	_ =	shalt  }
0x78: {  	_ =	shalt  }
0x79: {  	_ =	shalt  }
0x7a: {  	_ =	shalt  }
0x7b: {  	_ =	shalt  }
0x7c: {  	_ =	shalt  }
0x7d: {  	_ =	shalt  }
0x7e: {  	_ =	shalt  }
0x7f: {  	_ =	shalt  }
0x80: {  	_ =	shalt  }
0x81: {  	_ =	shalt  }
0x82: {  	_ =	shalt  }
0x83: {  	_ =	shalt  }
0x84: {  	_ =	shalt  }
0x85: {  	_ =	shalt  }
0x86: {  	_ =	shalt  }
0x87: {  	_ =	shalt  }
.Lfunc_end0:
.L_simem_size_0:
called_computation.2_lowered:
.L_overlay_start_0:
0x88: {  	s2 =	sld [smem:$0x3FD9]  }
0x89: {  	s3 =	sld [smem:$0x3FFE];
	_ =	sdelay $0x1  }
0x8a: {  	s1 =	srdreg.scid  }
0x8b: {  	s0 =	sand.u32 $0x1, s1  }
0x8c: {  	s15 =	sshll.u32 s0, $0xA;
	s2 =	sadd.s32 s3, s2  }
0x8d: {  	s2 =	sadd.s32 s2, s15  }
0x8e: {  	[smem:$0x3FBD] =	sst s2  }
0x8f: {  	_ = 	snop  }
0x90: {  	s2 =	sld [smem:$0x3FD0];
	_ =	sdelay $0x2  }
0x91: {  	s16 =	simm.s32 $0xB;
	s4 =	simm.s32 $0x10  }
0x92: {  	[smem:s4], [sflag:s16] =	dma.local [hbm:s2], $0x1  }
0x93: {  	_ =	swait.eq [sflag:s16], $0x1  }
0x94: {  	[sflag:s16] =	ssyncset.done $0x0  }
0x95: {  	[sflag:s16] =	ssyncadd.s32 $0xFFFFFFFF  }
0x96: {  	s17 =	sld [smem:$0x10];
	(tm) =	ssettm $0x1  }
0x97: {  	s18 =	sld [smem:$0x3FFB];
	_ =	sdelay $0x3  }
0x98: {  	_ =	strace s18  }
0x99: {  	s2 =	sld [smem:$0x3FFC];
	_ =	sdelay $0x3  }
0x9a: {  	_ =	strace s2  }
0x9b: {  	s2 =	sld [smem:$0x3FFD];
	_ =	sdelay $0x3  }
0x9c: {  	_ =	strace s2  }
0x9d: {  	_ =	strace $0x8FFFFFFF  }
0x9e: {  	s19 =	sld [smem:$0x3FDB];
	_ =	sdelay $0x1  }
0x9f: {  	s20 =	simm.s32 $_scs_section_size  }
0xa0: {  	s5 =	simm.s32 $_size__tile_overlayer_lowered;
	s6 =	simm.s32 $_tile_overlayer_lowered  }
0xa1: {  	s7 =	simm.s32 $0x1BFF;
	s21 =	sshll.u32 s6, $0x1;
	s4 =	sadd.s32 s20, s19  }
0xa2: {  	s22 =	simm.s32 $0x0;
	s5 =	sshll.u32 s5, $0x1;
	s6 =	sadd.s32 s21, s4  }
0xa3: {  	[timem:s22], [sflag:s7] =	dma.local [hbm:s6], s5  }
0xa4: {  	_ =	swait.ge [sflag:s7], s5  }
0xa5: {  	s5 =	ssub.s32 $0x0, s5;
	[sflag:s7] =	ssyncset.done $0x0  }
0xa6: {  	[sflag:s7] =	ssyncadd.s32 s5;
	_ =	sdelay $0x1  }
0xa7: {  	s23 =	simm.s32 $0x1B8B  }
0xa8: {  	_ =	swait.ge [sflag:s23], $0x1  }
0xa9: {  	[sflag:s23] =	ssyncset.done $0x0  }
0xaa: {  	[sflag:s23] =	ssyncadd.s32 $0xFFFFFFFF  }
0xab: {  	s5 =	sld [smem:$0x0]  }
0xac: {  	s6 =	sand.u32 $0xFFFFFFFE, s1  }
0xad: {  	p0 =	sne.s32 s1, s6  }
0xae: {  	s6 =	sshll.u32 @p0 s6, $0xE  }
0xaf: {  	s6 =	sadd.s32 @p0 $0x11B8D, s6;
	s7 =	sshll.u32 @p0 s5, $0x11  }
0xb0: {  	s6 =	sor.u32 @p0 s7, s6  }
0xb1: {  	[sflag:s6] =	ssyncadd.remote.s32 @p0 $0x1;
	_ =	sdelay $0x1  }
0xb2: {  	s6 =	simm.s32 @p0 $0x1B8D  }
0xb3: {  	_ =	swait.eq @p0 [sflag:s6], $0x1  }
0xb4: {  	[sflag:s6] =	ssyncadd.s32 @p0 $0xFFFFFFFF  }
0xb5: {  	s7 =	sshll.u32 @!p0 s1, $0xE  }
0xb6: {  	s7 =	sor.u32 @!p0 $0x4000, s7;
	s6 =	simm.s32 @!p0 $0x1B8D  }
0xb7: {  	s5 =	sshll.u32 @!p0 s5, $0x11;
	s7 =	sadd.s32 @!p0 $0x11B8D, s7;
	_ =	swait.eq @!p0 [sflag:s6], $0x1  }
0xb8: {  	s5 =	sor.u32 @!p0 s5, s7;
	[sflag:s6] =	ssyncadd.s32 @!p0 $0xFFFFFFFF  }
0xb9: {  	s25 =	simm.s32 $0x1B8E;
	s24 =	sld [smem:$0x3FFE];
	[sflag:s5] =	ssyncadd.remote.s32 @!p0 $0x1  }
0xba: {  	s26 =	simm.s32 $execute0_lowered;
	[smem:$0x3FD2] =	sst s25  }
0xbb: {  	s6 =	sshll.u32 s26, $0x1;
	_ =	strace $0x8000004C;
	[dreg:$0x1] =	wrdreg $0xFFFFFFFF  }
0xbc: {  	s28 =	simm.s32 $_size_execute0_lowered;
	s4 =	sadd.s32 s4, s6;
	[dreg:$0x0] =	wrdreg $0x0  }
0xbd: {  	s6 =	sshll.u32 s28, $0x1;
	[dreg:$0x2] =	wrdreg s4  }
0xbe: {  	[dreg:$0x3] =	wrdreg s6  }
0xbf: {  	[dreg:$0x4] =	wrdreg $0xC0  }
0xc0: {  	_ =	task [dreg:s22], $0x5FFFF  }
0xc1: {  	[dreg:$0x1] =	wrdreg $0xFFFFFFFF  }
0xc2: {  	[dreg:$0x0] =	wrdreg $0x60  }
0xc3: {  	[dreg:$0x2] =	wrdreg s17  }
0xc4: {  	[dreg:$0x3] =	wrdreg s24  }
0xc5: {  	[dreg:$0x4] =	wrdreg $0xA  }
0xc6: {  	_ =	task.clear_ibuf [dreg:s22], $0x5FFFF;
	_ =	strace $0x9000004C  }
0xc7: {  	s29 =	simm.s32 $0xA;
	_ =	strace $0x8000004E  }
0xc8: {  	_ =	swait.ge [sflag:s29], $0x1  }
0xc9: {  	[sflag:s29] =	ssyncadd.s32 $0xFFFFFFFF  }
0xca: {  	_ =	strace $0x9000004E  }
0xcb: {  	_ =	sfence  }
0xcc: {  	s30 =	sld [smem:$0x0];
	_ =	sdelay $0x2  }
0xcd: {  	s31 =	sshll.u32 s1, $0xD;
	s1 =	sshrl.u32 s1, $0x2  }
0xce: {  	s4 =	sand.u32 $0x4000, s31;
	s1 =	sadd.s32 s1, s30  }
0xcf: {  	s0 =	sor.u32 s4, s0;
	s1 =	sshll.u32 s1, $0x11  }
0xd0: {  	s0 =	sor.u32 s1, s0  }
0xd1: {  	s0 =	sadd.s32 $0x8F2B, s0  }
0xd2: {  	[sflag:s0] =	ssyncadd.remote.s32 $0x1  }
0xd3: {  	_ =	sfence.sel $0xFFFF  }
0xd4: {  	[dreg:$0x0] =	wrdreg $0xFFFFFFFF;
	(pc) =	sbr.abs _section_cstart, $3  }
0xd5: {  	[dreg:$0x1] =	wrdreg $0xFFFFFFFF  }
0xd6: {  	_ =	task.clear_ibuf [dreg:s22], $0x2FFFF;
	_ =	strace $0x9FFFFFFF  }
0xd7: {  	(tm) =	ssettm $0x7FFFFFFF  }
tec
execute0_lowered:
.L_overlay_start_1:
0x0: {  	(tag) =	ssettag $0x1  }
0x1: {  	s2 =	rddreg [dreg:$0x0]  }
0x2: {  	s4 =	rddreg [dreg:$0x1]  }
0x3: {  	s0 =	rddreg [dreg:$0x2]  }
0x4: {  	s5 =	srdreg.scid;
	s1 =	stileid.u32  }
0x5: {  	s3 =	simm.s32 $0x0;
	s13 =	simm.s32 $0x1;
	s14 =	simm.s32 $0x2  }
0x6: {  	s15 =	simm.s32 $0x3;
	s16 =	simm.s32 $0x4;
	s17 =	simm.s32 $0x0  }
0x7: {  	s6 =	sand.u32 $0x1, s5;
	s25 =	smul.u32 $0xAA000, s1;
	[smem:$0x7FF] =	sst s3  }
0x8: {  	s8 =	sadd.s32 $0x3200, s4;
	s10 =	sadd.s32 $0x1A9B200, s4;
	s7 =	smul.u32 $0x55000, s6  }
0x9: {  	s29 =	smul.u32 $0x2A8000, s1;
	_ =	strace $0x8000004D;
	s9 =	ssub.s32 $0x2, s6  }
0xa: {  	s12 =	smul.u32 $0x154000, s6;
	s26 =	sshrl.u32 s9, $0x1;
	s7 =	sadd.s32 s7, s25  }
0xb: {  	s4 =	ssub.s32 s9, s26;
	s9 =	sadd.s32 s29, s10;
	s11 =	sor.u32 $0x400, s7  }
0xc: {  	s4 =	smax.u32 s4, $0x1;
	s31 =	sshrl.u32 s7, $0x3;
	s7 =	sadd.s32 s12, s9  }
0xd: {  	s9 =	simm.s32 $0x5;
	s12 =	simm.s32 $0x8800;
	s28 =	sshll.u32 s11, $0x2  }
0xe: {  	s30 =	sshrl.u32 s11, $0x3;
	s11 =	simm.s32 $0x800;
	s5 =	sadd.s32 s28, s10  }
0xf: {  	s6 =	sadd.s32 s30, s8;
	s8 =	sadd.s32 s31, s8;
	s10 =	simm.s32 $0x400  }
.LBB2_1:
0x10: {  	s18 =	sadd.s32 $0x0, s8  }
0x11: {  	[tilespmem:s3], [sflag:$0x5] =	stream.linear.gather [hbm4b:s18+s3], $0x400, $0x38;
	[tilespmem:$0x10800] =	vst v63  }
0x12: {  	_ =	swait.ge [sflag:s9], $0x400  }
0x13: {  	[sflag:s9] =	ssyncset.done $0x0  }
0x14: {  	[sflag:s9] =	ssyncadd.s32 $0xFFFFFC00  }
0x15: {  	[tilespmem:s11], [sflag:$0x1] =	stream.indirect.gather [hbm4b:s2+s10], $0x20, s3, s10, $0xb8;
	[tilespmem:$0x10800] =	vst v63  }
0x16: {  	s31 =	sadd.s32 $0x0, s6  }
0x17: {  	[tilespmem:s10], [sflag:$0x5] =	stream.linear.gather [hbm4b:s31+s3], $0x400, $0x38;
	[tilespmem:$0x10800] =	vst v63  }
0x18: {  	_ =	swait.ge [sflag:s9], $0x400  }
0x19: {  	[sflag:s9] =	ssyncset.done $0x0  }
0x1a: {  	[sflag:s9] =	ssyncadd.s32 $0xFFFFFC00  }
0x1b: {  	[tilespmem:s12], [sflag:$0x2] =	stream.indirect.gather [hbm4b:s2+s10], $0x20, s10, s10, $0xb8;
	[tilespmem:$0x10800] =	vst v63  }
0x1c: {  	_ =	swait.ge [sflag:s13], $0x8000  }
0x1d: {  	[sflag:s13] =	ssyncset.done $0x0  }
0x1e: {  	[sflag:s13] =	ssyncadd.s32 $0xFFFF8000  }
0x1f: {  	[hbm4b:s7+s3] =	stream.linear.scatter [tilespmem:s11], [sflag:$0x3], $0x8000, $0x38;
	[tilespmem:$0x10800] =	vst v63  }
0x20: {  	_ =	swait.ge [sflag:s14], $0x8000  }
0x21: {  	[sflag:s14] =	ssyncset.done $0x0  }
0x22: {  	[sflag:s14] =	ssyncadd.s32 $0xFFFF8000  }
0x23: {  	[hbm4b:s5+s3] =	stream.linear.scatter [tilespmem:s12], [sflag:$0x4], $0x8000, $0x38;
	[tilespmem:$0x10800] =	vst v63  }
0x24: {  	_ =	swait.ge [sflag:s15], $0x8000  }
0x25: {  	[sflag:s15] =	ssyncset.done $0x0  }
0x26: {  	[sflag:s15] =	ssyncadd.s32 $0xFFFF8000  }
0x27: {  	s20 =	simm.s32 $0x100;
	s21 =	simm.s32 $0x200;
	_ =	swait.ge [sflag:s16], $0x8000  }
0x28: {  	s19 =	sadd.s32 $0x2000, s7;
	s18 =	sadd.s32 $0x2000, s5;
	[sflag:s16] =	ssyncset.done $0x0  }
.LBB2_2:
0x29: {  	s22 =	sadd.s32 s20, s8  }
0x2a: {  	[sflag:s16] =	ssyncadd.s32 $0xFFFF8000;
	s23 =	smov.u32 s21;
	s24 =	sadd.s32 $0x100, s21  }
0x2b: {  	[tilespmem:s3], [sflag:$0x5] =	stream.linear.gather [hbm4b:s22+s3], $0x400, $0x38;
	[tilespmem:$0x10800] =	vst v63  }
0x2c: {  	p0 =	sne.s32 s21, $0xA900;
	_ =	swait.ge [sflag:s9], $0x400  }
0x2d: {  	[sflag:s9] =	ssyncset.done $0x0  }
0x2e: {  	[sflag:s9] =	ssyncadd.s32 $0xFFFFFC00  }
0x2f: {  	[tilespmem:s11], [sflag:$0x1] =	stream.indirect.gather [hbm4b:s2+s10], $0x20, s3, s10, $0xb8;
	[tilespmem:$0x10800] =	vst v63  }
0x30: {  	s21 =	sadd.s32 s20, s6;
	s20 =	smov.u32 s23  }
0x31: {  	[tilespmem:s10], [sflag:$0x5] =	stream.linear.gather [hbm4b:s21+s3], $0x400, $0x38;
	[tilespmem:$0x10800] =	vst v63  }
0x32: {  	_ =	swait.ge [sflag:s9], $0x400  }
0x33: {  	[sflag:s9] =	ssyncset.done $0x0  }
0x34: {  	[sflag:s9] =	ssyncadd.s32 $0xFFFFFC00  }
0x35: {  	[tilespmem:s12], [sflag:$0x2] =	stream.indirect.gather [hbm4b:s2+s10], $0x20, s10, s10, $0xb8;
	[tilespmem:$0x10800] =	vst v63  }
0x36: {  	_ =	swait.ge [sflag:s13], $0x8000  }
0x37: {  	[sflag:s13] =	ssyncset.done $0x0  }
0x38: {  	[sflag:s13] =	ssyncadd.s32 $0xFFFF8000  }
0x39: {  	[hbm4b:s19+s3] =	stream.linear.scatter [tilespmem:s11], [sflag:$0x3], $0x8000, $0x38;
	[tilespmem:$0x10800] =	vst v63  }
0x3a: {  	_ =	swait.ge [sflag:s14], $0x8000  }
0x3b: {  	[sflag:s14] =	ssyncset.done $0x0  }
0x3c: {  	[sflag:s14] =	ssyncadd.s32 $0xFFFF8000  }
0x3d: {  	[hbm4b:s18+s3] =	stream.linear.scatter [tilespmem:s12], [sflag:$0x4], $0x8000, $0x38;
	[tilespmem:$0x10800] =	vst v63  }
.Ltmp0:
0x3e: {  	_ =	swait.ge [sflag:s15], $0x8000;
	(pc) =	sbr.rel @p0 .LBB2_2-.Ltmp0, $4  }
0x3f: {  	[sflag:s15] =	ssyncset.done $0x0  }
0x40: {  	[sflag:s15] =	ssyncadd.s32 $0xFFFF8000  }
0x41: {  	s21 =	smov.u32 s24;
	_ =	swait.ge [sflag:s16], $0x8000  }
0x42: {  	s19 =	sadd.s32 $0x2000, s19;
	s18 =	sadd.s32 $0x2000, s18;
	[sflag:s16] =	ssyncset.done $0x0  }
0x43: {  	s21 =	sadd.s32 s20, s8;
	[sflag:s16] =	ssyncadd.s32 $0xFFFF8000  }
0x44: {  	[tilespmem:s3], [sflag:$0x5] =	stream.linear.gather [hbm4b:s21+s3], $0x400, $0x38;
	[tilespmem:$0x10800] =	vst v63  }
0x45: {  	_ =	swait.ge [sflag:s9], $0x400  }
0x46: {  	[sflag:s9] =	ssyncset.done $0x0  }
0x47: {  	[sflag:s9] =	ssyncadd.s32 $0xFFFFFC00  }
0x48: {  	[tilespmem:s11], [sflag:$0x1] =	stream.indirect.gather [hbm4b:s2+s10], $0x20, s3, s10, $0xb8;
	[tilespmem:$0x10800] =	vst v63  }
0x49: {  	s31 =	sadd.s32 s20, s6  }
0x4a: {  	[tilespmem:s10], [sflag:$0x5] =	stream.linear.gather [hbm4b:s31+s3], $0x400, $0x38;
	[tilespmem:$0x10800] =	vst v63  }
0x4b: {  	_ =	swait.ge [sflag:s9], $0x400  }
0x4c: {  	[sflag:s9] =	ssyncset.done $0x0  }
0x4d: {  	[sflag:s9] =	ssyncadd.s32 $0xFFFFFC00  }
0x4e: {  	[tilespmem:s12], [sflag:$0x2] =	stream.indirect.gather [hbm4b:s2+s10], $0x20, s10, s10, $0xb8;
	[tilespmem:$0x10800] =	vst v63  }
0x4f: {  	_ =	swait.ge [sflag:s13], $0x8000  }
0x50: {  	[sflag:s13] =	ssyncset.done $0x0  }
0x51: {  	[sflag:s13] =	ssyncadd.s32 $0xFFFF8000  }
0x52: {  	[hbm4b:s19+s3] =	stream.linear.scatter [tilespmem:s11], [sflag:$0x3], $0x8000, $0x38;
	[tilespmem:$0x10800] =	vst v63  }
0x53: {  	_ =	swait.ge [sflag:s14], $0x8000  }
0x54: {  	[sflag:s14] =	ssyncset.done $0x0  }
0x55: {  	s17 =	sadd.s32 $0x1, s17;
	[sflag:s14] =	ssyncadd.s32 $0xFFFF8000  }
0x56: {  	[hbm4b:s18+s3] =	stream.linear.scatter [tilespmem:s12], [sflag:$0x4], $0x8000, $0x38;
	[tilespmem:$0x10800] =	vst v63  }
0x57: {  	p0 =	sne.s32 s17, s4;
	_ =	swait.ge [sflag:s15], $0x8000  }
.Ltmp1:
0x58: {  	[sflag:s15] =	ssyncset.done $0x0;
	(pc) =	sbr.rel @p0 .LBB2_1-.Ltmp1, $4  }
0x59: {  	[sflag:s15] =	ssyncadd.s32 $0xFFFF8000  }
0x5a: {  	_ =	swait.ge [sflag:s16], $0x8000  }
0x5b: {  	[sflag:s16] =	ssyncset.done $0x0  }
0x5c: {  	[sflag:s16] =	ssyncadd.s32 $0xFFFF8000  }
0x5d: {  	_ =	sfence.sel $0x180000  }
0x5e: {  	[bflag:$0x0] =	sbarrier.arrive $0xFFFF  }
0x5f: {  	p0 =	sne.s32 s1, $0x0;
	_ =	strace $0x9000004D  }
0x60: {  	s0 =	sadd.s32 @!p0 $0x100000, s0;
	[bflag:$0x2] =	sbarrier.arrive $0xFFFF  }
0x61: {  	[sflag:s0] =	ssyncadd.tile.s32 @!p0 $0x1;
	_ =	shalt  }
.Lfunc_end2:
_tile_overlayer_lowered:
.L_overlay_start_2:
0x62: {  	(tag) =	ssettag $0x2  }
0x63: {  	s0 =	rddreg [dreg:$0x0];
	s2 =	stileid.u32  }
0x64: {  	s1 =	rddreg [dreg:$0x1];
	p0 =	sne.s32 s2, $0x0  }
0x65: {  	s3 =	rddreg [dreg:$0x2];
	[bflag:$0x3] =	sbarrier.arrive $0xFFFF;
	s2 =	simm.s32 @!p0 $0x1C05  }
0x66: {  	[timem:s3], [sflag:s2] =	dma.local @!p0 [hbm:s0], s1  }
0x67: {  	s0 =	simm.s32 @!p0 $0x5  }
0x68: {  	_ =	swait.ge @!p0 [sflag:s0], s1  }
0x69: {  	s1 =	ssub.s32 @!p0 $0x0, s1;
	[sflag:s0] =	ssyncset.done @!p0 $0x0  }
0x6a: {  	[sflag:s0] =	ssyncadd.s32 @!p0 s1  }
0x6b: {  	[bflag:$0x3] =	sbarrier.arrive $0xFFFF  }
0x6c: {  	_ =	shalt  }

// kernel: sparse-core-data-format-call.1.cloned.1.call-start
scs
called_computation.1_lowered:
.L_overlay_start_0:
0x0: {  	s1 =	sld [smem:$0x3FD9]  }
0x1: {  	s2 =	sld [smem:$0x3FFE];
	_ =	sdelay $0x1  }
0x2: {  	s3 =	srdreg.scid  }
0x3: {  	s0 =	sand.u32 $0x1, s3  }
0x4: {  	s17 =	sshll.u32 s0, $0xA;
	s1 =	sadd.s32 s2, s1  }
0x5: {  	s1 =	sadd.s32 s1, s17  }
0x6: {  	[smem:$0x3FBD] =	sst s1  }
0x7: {  	_ = 	snop  }
0x8: {  	(tm) =	ssettm $0x1  }
0x9: {  	s18 =	sld [smem:$0x3FFB];
	_ =	sdelay $0x3  }
0xa: {  	_ =	strace s18  }
0xb: {  	s1 =	sld [smem:$0x3FFC];
	_ =	sdelay $0x3  }
0xc: {  	_ =	strace s1  }
0xd: {  	s1 =	sld [smem:$0x3FFD];
	_ =	sdelay $0x3  }
0xe: {  	_ =	strace s1  }
0xf: {  	_ =	strace $0x8FFFFFFF  }
0x10: {  	s19 =	sld [smem:$0x3FDB];
	_ =	sdelay $0x1  }
0x11: {  	s20 =	simm.s32 $_scs_section_size  }
0x12: {  	s4 =	simm.s32 $_size__tile_overlayer_lowered;
	s5 =	simm.s32 $_tile_overlayer_lowered  }
0x13: {  	s23 =	simm.s32 $0x1BFF;
	s22 =	sshll.u32 s5, $0x1;
	s1 =	sadd.s32 s20, s19  }
0x14: {  	s6 =	simm.s32 $0x0;
	s21 =	sshll.u32 s4, $0x1;
	s4 =	sadd.s32 s22, s1  }
0x15: {  	[timem:s6], [sflag:s23] =	dma.local [hbm:s4], s21  }
0x16: {  	_ =	swait.ge [sflag:s23], s21  }
0x17: {  	s2 =	ssub.s32 $0x0, s21;
	[sflag:s23] =	ssyncset.done $0x0  }
0x18: {  	[sflag:s23] =	ssyncadd.s32 s2;
	_ =	sdelay $0x1  }
0x19: {  	s24 =	simm.s32 $0x1B8B  }
0x1a: {  	_ =	swait.ge [sflag:s24], $0x1  }
0x1b: {  	[sflag:s24] =	ssyncset.done $0x0  }
0x1c: {  	s26 =	simm.s32 $0x1B8E;
	s25 =	sld [smem:$0x3FFE];
	[sflag:s24] =	ssyncadd.s32 $0xFFFFFFFF  }
0x1d: {  	s27 =	simm.s32 $execute0_lowered;
	[smem:$0x3FD2] =	sst s26  }
0x1e: {  	s4 =	sshll.u32 s27, $0x1;
	_ =	strace $0x80000046;
	[dreg:$0x1] =	wrdreg $0xFFFFFFFF  }
0x1f: {  	s28 =	simm.s32 $_size_execute0_lowered;
	s1 =	sadd.s32 s1, s4;
	[dreg:$0x0] =	wrdreg $0x0  }
0x20: {  	s4 =	sshll.u32 s28, $0x1;
	[dreg:$0x2] =	wrdreg s1  }
0x21: {  	[dreg:$0x3] =	wrdreg s4  }
0x22: {  	[dreg:$0x4] =	wrdreg $0xC0  }
0x23: {  	_ =	task [dreg:s6], $0x5FFFF  }
0x24: {  	[dreg:$0x1] =	wrdreg $0xFFFFFFFF  }
0x25: {  	[dreg:$0x0] =	wrdreg $0x60  }
0x26: {  	[dreg:$0x2] =	wrdreg s25  }
0x27: {  	[dreg:$0x3] =	wrdreg $0xA  }
0x28: {  	_ =	task.clear_ibuf [dreg:s6], $0x4FFFF;
	_ =	strace $0x90000046  }
0x29: {  	s29 =	simm.s32 $0xA;
	_ =	strace $0x80000048  }
0x2a: {  	_ =	swait.ge [sflag:s29], $0x1  }
0x2b: {  	[sflag:s29] =	ssyncadd.s32 $0xFFFFFFFF  }
0x2c: {  	_ =	strace $0x90000048  }
0x2d: {  	_ =	sfence  }
0x2e: {  	s30 =	sld [smem:$0x0];
	_ =	sdelay $0x2  }
0x2f: {  	s31 =	sshll.u32 s3, $0xD;
	s3 =	sshrl.u32 s3, $0x2  }
0x30: {  	s2 =	sand.u32 $0x4000, s31;
	s1 =	sadd.s32 s3, s30  }
0x31: {  	s0 =	sor.u32 s2, s0;
	s1 =	sshll.u32 s1, $0x11  }
0x32: {  	s0 =	sor.u32 s1, s0  }
0x33: {  	s0 =	sadd.s32 $0x8F2B, s0  }
0x34: {  	[sflag:s0] =	ssyncadd.remote.s32 $0x1  }
0x35: {  	_ =	sfence.sel $0xFFFF  }
0x36: {  	[dreg:$0x0] =	wrdreg $0xFFFFFFFF;
	(pc) =	sbr.abs _section_cstart, $3  }
0x37: {  	[dreg:$0x1] =	wrdreg $0xFFFFFFFF  }
0x38: {  	_ =	task.clear_ibuf [dreg:s6], $0x2FFFF;
	_ =	strace $0x9FFFFFFF  }
0x39: {  	(tm) =	ssettm $0x7FFFFFFF  }
tec
execute0_lowered:
.L_overlay_start_1:
0x0: {  	(tag) =	ssettag $0x1  }
0x1: {  	s0 =	rddreg [dreg:$0x0];
	s1 =	srdreg.scid;
	_ =	strace $0x80000047  }
0x2: {  	s3 =	stileid.u32;
	s6 =	simm.s32 $0x1;
	s31 =	simm.s32 $0x2  }
0x3: {  	s25 =	simm.s32 $0x0;
	p0 =	por $0x0, $0x0;
	s22 =	simm.s32 $0x0  }
0x4: {  	s23 =	simm.s32 $0x0;
	s24 =	simm.s32 $0x0;
	s26 =	simm.s32 $0x0  }
0x5: {  	s11 =	simm.s32 $0x0;
	s12 =	simm.s32 $0x0;
	s13 =	simm.s32 $0x0  }
0x6: {  	s14 =	simm.s32 $0x0;
	s15 =	simm.s32 $0x0;
	s17 =	simm.s32 $0x0  }
0x7: {  	s18 =	simm.s32 $0x0;
	s21 =	simm.s32 $0x0;
	s2 =	sadd.s32 $0x2AB200, s0  }
.Ltmp0:
0x8: {  	s1 =	sshll.u32 s1, $0x7;
	s0 =	sadd.s32 $0x403200, s0;
	(pc) =	sbr.rel .LBB1_1-.Ltmp0, $4  }
0x9: {  	s5 =	sand.u32 $0x3, s3;
	[sflag:s6] =	ssyncpa.u1 $0x0;
	s4 =	sand.u32 $0x80, s1  }
0xa: {  	s8 =	sshrl.u32 s3, $0x2;
	[dreg:$0x2] =	wrdreg s0;
	s30 =	ssub.s32 $0x1500, s4  }
0xb: {  	[sflag:s31] =	ssyncpa.u1 $0x0;
	s19 =	smov.u32 s8;
	s7 =	sshrl.u32 s30, $0x8  }
0xc: {  	s20 =	smov.u32 s5;
	s16 =	smov.u32 s4;
	s9 =	sor.u32 $0x2, s7  }
.LBB1_7:
0xd: {  	p1 =	slt.u32 s21, $0x2;
	s0 =	smov.u32 s26  }
0xe: {  	s27 =	sadd.s32 $0x100, s16;
	s28 =	smov.u32 s17;
	s29 =	smov.u32 s18  }
0xf: {  	p0 =	por !p0, !p0;
	p2 =	sgt.s32 @!p1 s26, $0x3;
	s1 =	sshra.s32 @!p1 s26, $0x1F  }
0x10: {  	s3 =	sshra.s32 @!p1 s25, $0x1F;
	p3 =	sgt.s32 @!p1 s24, $0x3;
	p2 =	por !p2, p1  }
0x11: {  	s1 =	sand.u32 @!p1 s1, s26;
	s3 =	sand.u32 @!p1 s3, s25;
	s26 =	smov.u32 s15  }
0x12: {  	s15 =	smov.u32 s20;
	s0 =	simm.s32 @p2 $0x3;
	p2 =	sgt.s32 @!p1 s25, $0x14C0  }
0x13: {  	s0 =	ssub.s32 @!p1 s0, s1;
	p2 =	por !p2, p1;
	s1 =	smov.u32 s25  }
0x14: {  	s25 =	smov.u32 s11;
	s11 =	smov.u32 s16;
	s10 =	sadd.s32 @!p1 $0xFFFFFFFD, s0  }
0x15: {  	s1 =	simm.s32 @p2 $0x14C0;
	s0 =	ssub.s32 @!p1 $0x4, s0;
	p2 =	sgt.s32 @!p1 s10, $0x0  }
0x16: {  	s1 =	ssub.s32 @!p1 s1, s3;
	s10 =	sshra.s32 @!p1 s24, $0x1F;
	p2 =	por !p2, p1  }
0x17: {  	s3 =	sadd.s32 @!p1 $0xFFFFEB40, s1;
	s10 =	sand.u32 @!p1 s10, s24;
	s0 =	simm.s32 @!p2 $0x0  }
0x18: {  	p2 =	sgt.s32 @!p1 s3, $0x7F;
	s3 =	smov.u32 s24;
	s24 =	ssub.s32 @!p1 $0x0, s23  }
0x19: {  	s1 =	ssub.s32 @!p1 $0x1540, s1;
	p2 =	por !p2, p1;
	s23 =	smin.u32 @!p1 s23, s24  }
0x1a: {  	s24 =	smov.u32 s22;
	s1 =	simm.s32 @!p2 $0x0;
	p2 =	por !p3, p1  }
0x1b: {  	p3 =	sgt.s32 @!p1 s23, $0x7;
	s23 =	ssub.s32 @!p1 $0x8, s23;
	s3 =	simm.s32 @p2 $0x3  }
0x1c: {  	p2 =	sgt.s32 @!p1 s22, $0x70;
	p3 =	por !p3, p1;
	s3 =	ssub.s32 @!p1 s3, s10  }
0x1d: {  	p2 =	por !p2, p1;
	s23 =	simm.s32 @!p3 $0x0;
	s10 =	sadd.s32 @!p1 $0xFFFFFFFD, s3  }
0x1e: {  	s24 =	simm.s32 @p2 $0x70;
	p2 =	sgt.s32 @!p1 s10, $0x0;
	s10 =	sshra.s32 @!p1 s22, $0x1F  }
0x1f: {  	p3 =	sgt.s32 s27, $0x153F;
	s3 =	ssub.s32 @!p1 $0x4, s3;
	s10 =	sand.u32 @!p1 s10, s22  }
0x20: {  	s0 =	smul.u32 @!p1 s0, s23;
	p2 =	por !p2, p1;
	s10 =	ssub.s32 @!p1 s24, s10  }
0x21: {  	s27 =	smov.u32 @p3 s4;
	s3 =	simm.s32 @!p2 $0x0;
	s22 =	sadd.s32 @!p1 $0xFFFFFF90, s10  }
0x22: {  	s10 =	ssub.s32 @!p1 $0x80, s10;
	p2 =	sgt.s32 @!p1 s22, $0xF;
	s22 =	sadd.s32 $0x10, s17  }
0x23: {  	s0 =	smul.u32 @!p1 s3, s0;
	p2 =	por !p2, p1;
	s28 =	smov.u32 @p3 s22  }
0x24: {  	s3 =	sadd.s32 $0x8, s18;
	s10 =	simm.s32 @!p2 $0x0;
	p2 =	sgt.s32 s28, $0xF  }
0x25: {  	s23 =	smov.u32 s13;
	s0 =	smul.u32 @!p1 s10, s0;
	s29 =	smov.u32 @p2 s3  }
0x26: {  	s3 =	sadd.s32 $0x4, s19;
	s10 =	smov.u32 s19;
	p3 =	sgt.s32 s29, $0x7  }
0x27: {  	s28 =	simm.s32 @p2 $0x0;
	s0 =	smul.u32 @!p1 s1, s0;
	s10 =	smov.u32 @p3 s3  }
0x28: {  	s1 =	sadd.s32 $0x4, s20;
	s3 =	smov.u32 s20;
	p2 =	sgt.s32 s10, $0x3  }
0x29: {  	s13 =	smov.u32 s18;
	s16 =	smov.u32 s27;
	s3 =	smov.u32 @p2 s1  }
0x2a: {  	s24 =	smov.u32 s14;
	s10 =	smov.u32 @p2 s8;
	p2 =	sgt.s32 s3, $0x3  }
0x2b: {  	s14 =	smov.u32 s19;
	s3 =	smov.u32 @p2 s5;
	p2 =	sne.s32 s21, s9  }
.Ltmp1:
0x2c: {  	s22 =	smov.u32 s12;
	s12 =	smov.u32 s17;
	(pc) =	sbr.rel @!p2 .LBB1_8-.Ltmp1, $4  }
0x2d: {  	s29 =	simm.s32 @p3 $0x0;
	s0 =	sand.u32 @!p1 $0x3FFFFFFF, s0;
	s1 =	simm.s32 @!p1 $0x2  }
0x2e: {  	s17 =	smov.u32 s28;
	s18 =	smov.u32 s29;
	_ =	swait.ge @!p1 [sflag:s1], s0  }
0x2f: {  	s0 =	ssub.s32 @!p1 $0x0, s0;
	s19 =	smov.u32 s10;
	[sflag:s1] =	ssyncset.done @!p1 $0x0  }
0x30: {  	s21 =	sadd.s32 $0x1, s21;
	[sflag:s1] =	ssyncadd.s32 @!p1 s0;
	s20 =	smov.u32 s3  }
.LBB1_1:
0x31: {  	p1 =	sgt.u32 s21, s7  }
0x32: {  	s0 =	sshrl.u32 @!p1 s17, $0x3  }
0x33: {  	s1 =	sshll.u32 @!p1 s16, $0x3;
	s0 =	smul.u32 @!p1 $0xAC00, s0  }
0x34: {  	s10 =	sshll.u32 @!p1 s17, $0x7;
	s1 =	sand.u32 @!p1 $0xFFFFFC00, s1  }
0x35: {  	s0 =	sadd.s32 @!p1 s0, s1;
	s1 =	sand.u32 @!p1 $0x380, s10  }
0x36: {  	s28 =	smul.u32 @!p1 $0x56000, s20;
	s10 =	sand.u32 @!p1 $0x7F, s16;
	s0 =	sor.u32 @!p1 s1, s0  }
0x37: {  	s29 =	smul.u32 @!p1 $0x15800, s19;
	s1 =	sor.u32 @!p1 s10, s0  }
0x38: {  	s10 =	smulhi.u32 @!p1 $0x2FA0BE83, s1  }
0x39: {  	s0 =	smulhi.u32 @!p1 $0x2FA0BE83, s0  }
0x3a: {  	s30 =	smul.u32 @!p1 $0x2B00, s18;
	s10 =	sshrl.u32 @!p1 s10, $0xA  }
0x3b: {  	s27 =	sxor.u32 @!p1 $0xFFFFFFFF, s21;
	s0 =	sshrl.u32 @!p1 s0, $0xA;
	s10 =	smul.u32 @!p1 $0x1580, s10  }
0x3c: {  	s27 =	sshll.u32 @!p1 s27, $0xE;
	s28 =	sadd.s32 @!p1 s2, s28;
	s0 =	sand.u32 @!p1 $0xF, s0  }
0x3d: {  	s0 =	smul.u32 @!p1 $0x2B0, s0;
	s1 =	ssub.s32 @!p1 s1, s10;
	s10 =	sadd.s32 @!p1 s29, s28  }
0x3e: {  	s27 =	sand.u32 @!p1 $0x4000, s27;
	s10 =	sadd.s32 @!p1 s30, s10;
	s28 =	sand.u32 @!p1 $0x7, s1  }
0x3f: {  	s1 =	sshrl.u32 @!p1 s1, $0x3;
	s0 =	sadd.s32 @!p1 s0, s10;
	s10 =	sshll.u32 @!p1 s28, $0x12  }
0x40: {  	s0 =	sadd.s32 @!p1 s1, s0;
	s1 =	sor.u32 @!p1 $0x400, s10;
	s10 =	simm.s32 @!p1 $0xAC00  }
0x41: {  	[tilespmem:s27], [sflag:$0x1] =	stream.strided.gather @!p1 [hbm4b:s0+s1], $0x4000, s10, s1, $0x38;
	[tilespmem:$0x10800] =	vst v63  }
0x42: {  	p1 =	seq.s32 s21, $0x0  }
0x43: {  	p2 =	sge.u32 @!p1 s21, s9  }
0x44: {  	p1 =	por p1, p2  }
.Ltmp2:
0x45: {  	_ = 	snop;
	(pc) =	sbr.rel @p1 .LBB1_7-.Ltmp2, $1  }
0x46: {  	_ =	sdelay $0x3  }
0x47: {  	s0 =	simm.s32 $0x1;
	s10 =	sand.u32 $0x1, s21  }
0x48: {  	s0 =	simm.s32 @!p0 $0x0;
	s10 =	smul.u32 $0x11000, s10  }
0x49: {  	_ =	swait.ge [sflag:s6], $0x4000;
	s1 =	smul.u32 $0x11000, s0  }
0x4a: {  	s30 =	simm.s32 $0x0;
	[sflag:s6] =	ssyncset.done $0x0;
	s0 =	sshll.u32 s0, $0xE  }
0x4b: {  	[sflag:s6] =	ssyncadd.s32 $0xFFFFC000;
	s31 =	sshrl.u32 s10, $0x2;
	s1 =	sshrl.u32 s1, $0x2  }
0x4c: {  	s29 =	sor.u32 $0x40, s0;
	s27 =	sor.u32 $0x8000, s31;
	s28 =	sor.u32 $0x8000, s1  }
.LBB1_3:
0x4d: {  	v0 =	vld [tilespmem:s29+$0x30]  }
0x4e: {  	v1 =	vld [tilespmem:s29+$0xFFFFFFD0]  }
0x4f: {  	v5 =	vld [tilespmem:s29+$0xFFFFFFE0]  }
0x50: {  	v6 =	vld [tilespmem:s29+$0xFFFFFFF0]  }
0x51: {  	s31 =	sadd.s32 $0x0, s28;
	v2 =	vld [tilespmem:s29+$0x0]  }
0x52: {  	v3 =	vld [tilespmem:s29+$0x10];
	[tilespmem:s31+$0x3B80 ss:$0x88] =	vst.msk $0xffff, v0  }
0x53: {  	v4 =	vld [tilespmem:s29+$0x20];
	[tilespmem:s31+$0x880 ss:$0x88] =	vst.msk $0xffff, v1  }
0x54: {  	s0 =	sadd.s32 $0x80, s29;
	v0 =	vld [tilespmem:s29+$0xFFFFFFC0];
	[tilespmem:s31+$0x1100 ss:$0x88] =	vst.msk $0xffff, v5  }
0x55: {  	s1 =	simm.s32 $0x4;
	s10 =	simm.s32 $0x8;
	v1 =	vld [tilespmem:s0+$0x30];
	[tilespmem:s31+$0x1980 ss:$0x88] =	vst.msk $0xffff, v6  }
.LBB1_4:
0x56: {  	p1 =	sne.s32 s10, $0x3C;
	v5 =	vld [tilespmem:s0+$0xFFFFFFD0];
	[tilespmem:s31+$0x2200 ss:$0x88] =	vst.msk $0xffff, v2  }
0x57: {  	v6 =	vld [tilespmem:s0+$0xFFFFFFE0];
	[tilespmem:s31+$0x2A80 ss:$0x88] =	vst.msk $0xffff, v3  }
0x58: {  	s3 =	sshra.s32 s1, $0x2;
	s1 =	smov.u32 s10;
	v7 =	vld [tilespmem:s0+$0xFFFFFFF0];
	[tilespmem:s31+$0x3300 ss:$0x88] =	vst.msk $0xffff, v4  }
.Ltmp3:
0x59: {  	v2 =	vld [tilespmem:s0+$0x0];
	[tilespmem:s31+$0x0 ss:$0x88] =	vst.msk $0xffff, v0;
	s31 =	sadd.s32 s3, s28;
	(pc) =	sbr.rel @p1 .LBB1_4-.Ltmp3, $4  }
0x5a: {  	v3 =	vld [tilespmem:s0+$0x10];
	[tilespmem:s31+$0x3B80 ss:$0x88] =	vst.msk $0xffff, v1  }
0x5b: {  	[tilespmem:s31+$0x880 ss:$0x88] =	vst.msk $0xffff, v5;
	v4 =	vld [tilespmem:s0+$0x20]  }
0x5c: {  	v0 =	vld [tilespmem:s0+$0xFFFFFFC0];
	[tilespmem:s31+$0x1100 ss:$0x88] =	vst.msk $0xffff, v6;
	s0 =	sadd.s32 $0x80, s0  }
0x5d: {  	s10 =	sadd.s32 $0x4, s10;
	v1 =	vld [tilespmem:s0+$0x30];
	[tilespmem:s31+$0x1980 ss:$0x88] =	vst.msk $0xffff, v7  }
0x5e: {  	v5 =	vld [tilespmem:s0+$0xFFFFFFD0];
	[tilespmem:s31+$0x2200 ss:$0x88] =	vst.msk $0xffff, v2  }
0x5f: {  	v58 =	vld [tilespmem:s0+$0xFFFFFFE0];
	[tilespmem:s31+$0x2A80 ss:$0x88] =	vst.msk $0xffff, v3  }
0x60: {  	s1 =	sshra.s32 s1, $0x2;
	v59 =	vld [tilespmem:s0+$0xFFFFFFF0];
	[tilespmem:s31+$0x3300 ss:$0x88] =	vst.msk $0xffff, v4  }
0x61: {  	v60 =	vld [tilespmem:s0+$0x0];
	s1 =	sadd.s32 s1, s28;
	[tilespmem:s31+$0x0 ss:$0x88] =	vst.msk $0xffff, v0  }
0x62: {  	v61 =	vld [tilespmem:s0+$0x10];
	[tilespmem:s1+$0x3B80 ss:$0x88] =	vst.msk $0xffff, v1  }
0x63: {  	v62 =	vld [tilespmem:s0+$0x20];
	s30 =	sadd.s32 $0x1, s30;
	[tilespmem:s1+$0x880 ss:$0x88] =	vst.msk $0xffff, v5  }
0x64: {  	v63 =	vld [tilespmem:s0+$0xFFFFFFC0];
	p1 =	sne.s32 s30, $0x8;
	[tilespmem:s1+$0x1100 ss:$0x88] =	vst.msk $0xffff, v58  }
.Ltmp4:
0x65: {  	[tilespmem:s1+$0x1980 ss:$0x88] =	vst.msk $0xffff, v59;
	(pc) =	sbr.rel @p1 .LBB1_3-.Ltmp4, $4  }
0x66: {  	[tilespmem:s1+$0x2200 ss:$0x88] =	vst.msk $0xffff, v60  }
0x67: {  	[tilespmem:s1+$0x2A80 ss:$0x88] =	vst.msk $0xffff, v61  }
0x68: {  	[tilespmem:s1+$0x3300 ss:$0x88] =	vst.msk $0xffff, v62  }
0x69: {  	s29 =	sadd.s32 $0x800, s29;
	s28 =	sadd.s32 $0x11, s28;
	[tilespmem:s1+$0x0 ss:$0x88] =	vst.msk $0xffff, v63  }
0x6a: {  	p1 =	sgt.s32 s15, $0x3;
	s0 =	smov.u32 s15;
	s1 =	sshra.s32 s15, $0x1F  }
0x6b: {  	s0 =	simm.s32 @!p1 $0x3;
	s1 =	sand.u32 s1, s15  }
0x6c: {  	s3 =	sshra.s32 s14, $0x1F;
	p2 =	sgt.s32 s11, $0x14C0;
	s0 =	ssub.s32 s0, s1  }
0x6d: {  	s10 =	smov.u32 s11;
	s28 =	ssub.s32 $0x0, s13;
	s1 =	sadd.s32 $0xFFFFFFFD, s0  }
0x6e: {  	s29 =	smov.u32 s12;
	s0 =	ssub.s32 $0x4, s0;
	p1 =	sgt.s32 s1, $0x0  }
0x6f: {  	s1 =	smov.u32 s14;
	s0 =	simm.s32 @p1 $0x0;
	p1 =	sgt.s32 s14, $0x3  }
0x70: {  	s30 =	sshra.s32 s12, $0x1F;
	s3 =	sand.u32 s3, s14;
	s1 =	simm.s32 @!p1 $0x3  }
0x71: {  	s10 =	simm.s32 @!p2 $0x14C0;
	p1 =	sgt.s32 s12, $0x70;
	s1 =	ssub.s32 s1, s3  }
0x72: {  	s3 =	smin.u32 s13, s28;
	s29 =	simm.s32 @!p1 $0x70;
	s28 =	sand.u32 s30, s12  }
0x73: {  	s31 =	sadd.s32 $0xFFFFFFFD, s1;
	p1 =	sgt.s32 s3, $0x7;
	s3 =	ssub.s32 $0x8, s3  }
0x74: {  	s28 =	ssub.s32 s29, s28;
	p2 =	sgt.s32 s31, $0x0;
	s31 =	sshra.s32 s11, $0x1F  }
0x75: {  	s1 =	ssub.s32 $0x4, s1;
	s3 =	simm.s32 @p1 $0x0;
	s29 =	sand.u32 s31, s11  }
0x76: {  	s0 =	smul.u32 s0, s3;
	s1 =	simm.s32 @p2 $0x0;
	s31 =	sadd.s32 $0xFFFFFF90, s28  }
0x77: {  	s30 =	ssub.s32 s10, s29;
	p1 =	sgt.s32 s31, $0xF;
	s10 =	ssub.s32 $0x80, s28  }
0x78: {  	s31 =	sshll.u32 s14, $0x4;
	s0 =	smul.u32 s1, s0;
	s29 =	sadd.s32 $0xFFFFEB40, s30  }
0x79: {  	s10 =	simm.s32 @p1 $0x0;
	s1 =	ssub.s32 $0x1540, s30;
	s30 =	smul.u32 $0x2A8000, s15  }
0x7a: {  	p1 =	sgt.s32 s29, $0x7F;
	s29 =	rddreg [dreg:$0x2];
	s0 =	smul.u32 s10, s0  }
0x7b: {  	s1 =	simm.s32 @p1 $0x0;
	s3 =	sadd.s32 s29, s30;
	s30 =	sshll.u32 s11, $0x9  }
0x7c: {  	s10 =	sand.u32 $0x30, s31;
	s0 =	smul.u32 s1, s0;
	s1 =	sshll.u32 s13, $0x6  }
.Ltmp5:
0x7d: {  	s31 =	sshrl.u32 s12, $0x3;
	s1 =	sadd.s32 s1, s3;
	(pc) =	sbr.rel .LBB1_7-.Ltmp5, $4  }
0x7e: {  	s29 =	sand.u32 $0x7, s12;
	s3 =	sand.u32 $0xF, s31;
	s1 =	sadd.s32 s10, s1  }
0x7f: {  	s31 =	simm.s32 $0x200;
	s10 =	sshll.u32 s29, $0x12;
	s1 =	sadd.s32 s30, s1  }
0x80: {  	s0 =	sand.u32 $0x3FFFFFFF, s0;
	s30 =	sor.u32 $0x10, s10;
	s1 =	sadd.s32 s3, s1  }
0x81: {  	[hbm4b:s1+s30] =	stream.strided.scatter [tilespmem:s27], [sflag:$0x2], s0, s31, s30, $0x8;
	[tilespmem:$0x10800] =	vst v63  }
.LBB1_8:
0x82: {  	_ =	sfence.sel $0x180000  }
0x83: {  	s0 =	simm.s32 $0x1;
	[bflag:$0x0] =	sbarrier.arrive $0xFFFF  }
0x84: {  	s30 =	simm.s32 $0x2;
	[sflag:s0] =	ssyncpa.u1 $0x1  }
0x85: {  	[sflag:s30] =	ssyncpa.u1 $0x1  }
0x86: {  	_ =	strace $0x90000047  }
0x87: {  	s31 =	stileid.u32;
	[bflag:$0x2] =	sbarrier.arrive $0xFFFF  }
0x88: {  	p0 =	sne.s32 s31, $0x0;
	s0 =	rddreg [dreg:$0x1]  }
0x89: {  	s0 =	sadd.s32 @!p0 $0x100000, s0  }
0x8a: {  	[sflag:s0] =	ssyncadd.tile.s32 @!p0 $0x1;
	_ =	shalt  }
.Lfunc_end1:
_tile_overlayer_lowered:
.L_overlay_start_2:
0x8b: {  	(tag) =	ssettag $0x2  }
0x8c: {  	s0 =	rddreg [dreg:$0x0];
	s2 =	stileid.u32  }
0x8d: {  	s1 =	rddreg [dreg:$0x1];
	p0 =	sne.s32 s2, $0x0  }
0x8e: {  	s3 =	rddreg [dreg:$0x2];
	[bflag:$0x3] =	sbarrier.arrive $0xFFFF;
	s2 =	simm.s32 @!p0 $0x1C01  }
0x8f: {  	[timem:s3], [sflag:s2] =	dma.local @!p0 [hbm:s0], s1  }
0x90: {  	s0 =	simm.s32 @!p0 $0x1  }
0x91: {  	_ =	swait.ge @!p0 [sflag:s0], s1  }
0x92: {  	s1 =	ssub.s32 @!p0 $0x0, s1;
	[sflag:s0] =	ssyncset.done @!p0 $0x0  }
0x93: {  	[sflag:s0] =	ssyncadd.s32 @!p0 s1  }
0x94: {  	[bflag:$0x3] =	sbarrier.arrive $0xFFFF  }
0x95: {  	_ =	shalt  }

// kernel: sparse-core-data-format-call.cloned.1.call-start
scs
called_computation_lowered:
.L_overlay_start_0:
0x0: {  	s2 =	sld [smem:$0x3FD9]  }
0x1: {  	s3 =	sld [smem:$0x3FFE];
	_ =	sdelay $0x1  }
0x2: {  	s1 =	srdreg.scid  }
0x3: {  	s0 =	sand.u32 $0x1, s1  }
0x4: {  	s18 =	sshll.u32 s0, $0xA;
	s2 =	sadd.s32 s3, s2  }
0x5: {  	s2 =	sadd.s32 s2, s18  }
0x6: {  	[smem:$0x3FBD] =	sst s2  }
0x7: {  	_ = 	snop  }
0x8: {  	(tm) =	ssettm $0x1  }
0x9: {  	s19 =	sld [smem:$0x3FFB];
	_ =	sdelay $0x3  }
0xa: {  	_ =	strace s19  }
0xb: {  	s2 =	sld [smem:$0x3FFC];
	_ =	sdelay $0x3  }
0xc: {  	_ =	strace s2  }
0xd: {  	s2 =	sld [smem:$0x3FFD];
	_ =	sdelay $0x3  }
0xe: {  	_ =	strace s2  }
0xf: {  	_ =	strace $0x8FFFFFFF  }
0x10: {  	s20 =	sld [smem:$0x3FDB];
	_ =	sdelay $0x1  }
0x11: {  	s21 =	simm.s32 $_scs_section_size  }
0x12: {  	s4 =	simm.s32 $_size__tile_overlayer_lowered;
	s5 =	simm.s32 $_tile_overlayer_lowered  }
0x13: {  	s6 =	simm.s32 $0x1BFF;
	s22 =	sshll.u32 s5, $0x1;
	s3 =	sadd.s32 s21, s20  }
0x14: {  	s23 =	simm.s32 $0x0;
	s4 =	sshll.u32 s4, $0x1;
	s5 =	sadd.s32 s22, s3  }
0x15: {  	[timem:s23], [sflag:s6] =	dma.local [hbm:s5], s4  }
0x16: {  	_ =	swait.ge [sflag:s6], s4  }
0x17: {  	s4 =	ssub.s32 $0x0, s4;
	[sflag:s6] =	ssyncset.done $0x0  }
0x18: {  	[sflag:s6] =	ssyncadd.s32 s4;
	_ =	sdelay $0x1  }
0x19: {  	s24 =	simm.s32 $0x1B8B  }
0x1a: {  	_ =	swait.ge [sflag:s24], $0x1  }
0x1b: {  	[sflag:s24] =	ssyncset.done $0x0  }
0x1c: {  	[sflag:s24] =	ssyncadd.s32 $0xFFFFFFFF  }
0x1d: {  	s4 =	sld [smem:$0x0]  }
0x1e: {  	s5 =	sand.u32 $0xFFFFFFFE, s1  }
0x1f: {  	p0 =	sne.s32 s1, s5  }
0x20: {  	s5 =	sshll.u32 @p0 s5, $0xE  }
0x21: {  	s5 =	sadd.s32 @p0 $0x11B8D, s5;
	s6 =	sshll.u32 @p0 s4, $0x11  }
0x22: {  	s5 =	sor.u32 @p0 s6, s5  }
0x23: {  	[sflag:s5] =	ssyncadd.remote.s32 @p0 $0x1;
	_ =	sdelay $0x1  }
0x24: {  	s5 =	simm.s32 @p0 $0x1B8D  }
0x25: {  	_ =	swait.eq @p0 [sflag:s5], $0x1  }
0x26: {  	[sflag:s5] =	ssyncadd.s32 @p0 $0xFFFFFFFF  }
0x27: {  	s6 =	sshll.u32 @!p0 s1, $0xE  }
0x28: {  	s6 =	sor.u32 @!p0 $0x4000, s6;
	s5 =	simm.s32 @!p0 $0x1B8D  }
0x29: {  	s4 =	sshll.u32 @!p0 s4, $0x11;
	s6 =	sadd.s32 @!p0 $0x11B8D, s6;
	_ =	swait.eq @!p0 [sflag:s5], $0x1  }
0x2a: {  	s4 =	sor.u32 @!p0 s4, s6;
	[sflag:s5] =	ssyncadd.s32 @!p0 $0xFFFFFFFF  }
0x2b: {  	s26 =	simm.s32 $0x1B8E;
	s25 =	sld [smem:$0x3FFE];
	[sflag:s4] =	ssyncadd.remote.s32 @!p0 $0x1  }
0x2c: {  	s27 =	simm.s32 $execute0_lowered;
	[smem:$0x3FD2] =	sst s26  }
0x2d: {  	s5 =	sshll.u32 s27, $0x1;
	_ =	strace $0x80000049;
	[dreg:$0x1] =	wrdreg $0xFFFFFFFF  }
0x2e: {  	s28 =	simm.s32 $_size_execute0_lowered;
	s3 =	sadd.s32 s3, s5;
	[dreg:$0x0] =	wrdreg $0x0  }
0x2f: {  	s5 =	sshll.u32 s28, $0x1;
	[dreg:$0x2] =	wrdreg s3  }
0x30: {  	[dreg:$0x3] =	wrdreg s5  }
0x31: {  	[dreg:$0x4] =	wrdreg $0xC0  }
0x32: {  	_ =	task [dreg:s23], $0x5FFFF  }
0x33: {  	[dreg:$0x1] =	wrdreg $0xFFFFFFFF  }
0x34: {  	[dreg:$0x0] =	wrdreg $0x60  }
0x35: {  	[dreg:$0x2] =	wrdreg s25  }
0x36: {  	[dreg:$0x3] =	wrdreg $0x9  }
0x37: {  	_ =	task.clear_ibuf [dreg:s23], $0x4FFFF;
	_ =	strace $0x90000049  }
0x38: {  	s29 =	simm.s32 $0x9;
	_ =	strace $0x8000004B  }
0x39: {  	_ =	swait.ge [sflag:s29], $0x1  }
0x3a: {  	[sflag:s29] =	ssyncadd.s32 $0xFFFFFFFF  }
0x3b: {  	_ =	strace $0x9000004B  }
0x3c: {  	_ =	sfence  }
0x3d: {  	s30 =	sld [smem:$0x0];
	_ =	sdelay $0x2  }
0x3e: {  	s31 =	sshll.u32 s1, $0xD;
	s1 =	sshrl.u32 s1, $0x2  }
0x3f: {  	s4 =	sand.u32 $0x4000, s31;
	s1 =	sadd.s32 s1, s30  }
0x40: {  	s0 =	sor.u32 s4, s0;
	s1 =	sshll.u32 s1, $0x11  }
0x41: {  	s0 =	sor.u32 s1, s0  }
0x42: {  	s0 =	sadd.s32 $0x8F2B, s0  }
0x43: {  	[sflag:s0] =	ssyncadd.remote.s32 $0x1  }
0x44: {  	_ =	sfence.sel $0xFFFF  }
0x45: {  	[dreg:$0x0] =	wrdreg $0xFFFFFFFF;
	(pc) =	sbr.abs _section_cstart, $3  }
0x46: {  	[dreg:$0x1] =	wrdreg $0xFFFFFFFF  }
0x47: {  	_ =	task.clear_ibuf [dreg:s23], $0x2FFFF;
	_ =	strace $0x9FFFFFFF  }
0x48: {  	(tm) =	ssettm $0x7FFFFFFF  }
0x49: {  	_ =	shalt  }
tec
execute0_lowered:
.L_overlay_start_1:
0x0: {  	(tag) =	ssettag $0x1  }
0x1: {  	s0 =	rddreg [dreg:$0x0];
	s1 =	srdreg.scid;
	_ =	strace $0x8000004A  }
0x2: {  	s3 =	stileid.u32;
	s6 =	simm.s32 $0x1;
	s31 =	simm.s32 $0x2  }
0x3: {  	s25 =	simm.s32 $0x0;
	p0 =	por $0x0, $0x0;
	s22 =	simm.s32 $0x0  }
0x4: {  	s23 =	simm.s32 $0x0;
	s24 =	simm.s32 $0x0;
	s26 =	simm.s32 $0x0  }
0x5: {  	s11 =	simm.s32 $0x0;
	s12 =	simm.s32 $0x0;
	s13 =	simm.s32 $0x0  }
0x6: {  	s14 =	simm.s32 $0x0;
	s15 =	simm.s32 $0x0;
	s17 =	simm.s32 $0x0  }
0x7: {  	s18 =	simm.s32 $0x0;
	s21 =	simm.s32 $0x0;
	s2 =	sadd.s32 $0xEA3200, s0  }
.Ltmp0:
0x8: {  	s1 =	sshll.u32 s1, $0x7;
	s0 =	sadd.s32 $0xFFB200, s0;
	(pc) =	sbr.rel .LBB1_1-.Ltmp0, $4  }
0x9: {  	s5 =	sand.u32 $0x3, s3;
	[sflag:s6] =	ssyncpa.u1 $0x0;
	s4 =	sand.u32 $0x80, s1  }
0xa: {  	s8 =	sshrl.u32 s3, $0x2;
	[dreg:$0x2] =	wrdreg s0;
	s30 =	ssub.s32 $0x1500, s4  }
0xb: {  	[sflag:s31] =	ssyncpa.u1 $0x0;
	s19 =	smov.u32 s8;
	s7 =	sshrl.u32 s30, $0x8  }
0xc: {  	s20 =	smov.u32 s5;
	s16 =	smov.u32 s4;
	s9 =	sor.u32 $0x2, s7  }
.LBB1_7:
0xd: {  	p1 =	slt.u32 s21, $0x2;
	s0 =	smov.u32 s26  }
0xe: {  	s27 =	sadd.s32 $0x100, s16;
	s28 =	smov.u32 s17;
	s29 =	smov.u32 s18  }
0xf: {  	p0 =	por !p0, !p0;
	p2 =	sgt.s32 @!p1 s26, $0x3;
	s1 =	sshra.s32 @!p1 s26, $0x1F  }
0x10: {  	s3 =	sshra.s32 @!p1 s25, $0x1F;
	p3 =	sgt.s32 @!p1 s24, $0x3;
	p2 =	por !p2, p1  }
0x11: {  	s1 =	sand.u32 @!p1 s1, s26;
	s3 =	sand.u32 @!p1 s3, s25;
	s26 =	smov.u32 s15  }
0x12: {  	s15 =	smov.u32 s20;
	s0 =	simm.s32 @p2 $0x3;
	p2 =	sgt.s32 @!p1 s25, $0x14C0  }
0x13: {  	s0 =	ssub.s32 @!p1 s0, s1;
	p2 =	por !p2, p1;
	s1 =	smov.u32 s25  }
0x14: {  	s25 =	smov.u32 s11;
	s11 =	smov.u32 s16;
	s10 =	sadd.s32 @!p1 $0xFFFFFFFD, s0  }
0x15: {  	s1 =	simm.s32 @p2 $0x14C0;
	s0 =	ssub.s32 @!p1 $0x4, s0;
	p2 =	sgt.s32 @!p1 s10, $0x0  }
0x16: {  	s1 =	ssub.s32 @!p1 s1, s3;
	s10 =	sshra.s32 @!p1 s24, $0x1F;
	p2 =	por !p2, p1  }
0x17: {  	s3 =	sadd.s32 @!p1 $0xFFFFEB40, s1;
	s10 =	sand.u32 @!p1 s10, s24;
	s0 =	simm.s32 @!p2 $0x0  }
0x18: {  	p2 =	sgt.s32 @!p1 s3, $0x7F;
	s3 =	smov.u32 s24;
	s24 =	ssub.s32 @!p1 $0x0, s23  }
0x19: {  	s1 =	ssub.s32 @!p1 $0x1540, s1;
	p2 =	por !p2, p1;
	s23 =	smin.u32 @!p1 s23, s24  }
0x1a: {  	s24 =	smov.u32 s22;
	s1 =	simm.s32 @!p2 $0x0;
	p2 =	por !p3, p1  }
0x1b: {  	p3 =	sgt.s32 @!p1 s23, $0x7;
	s23 =	ssub.s32 @!p1 $0x8, s23;
	s3 =	simm.s32 @p2 $0x3  }
0x1c: {  	p2 =	sgt.s32 @!p1 s22, $0x70;
	p3 =	por !p3, p1;
	s3 =	ssub.s32 @!p1 s3, s10  }
0x1d: {  	p2 =	por !p2, p1;
	s23 =	simm.s32 @!p3 $0x0;
	s10 =	sadd.s32 @!p1 $0xFFFFFFFD, s3  }
0x1e: {  	s24 =	simm.s32 @p2 $0x70;
	p2 =	sgt.s32 @!p1 s10, $0x0;
	s10 =	sshra.s32 @!p1 s22, $0x1F  }
0x1f: {  	p3 =	sgt.s32 s27, $0x153F;
	s3 =	ssub.s32 @!p1 $0x4, s3;
	s10 =	sand.u32 @!p1 s10, s22  }
0x20: {  	s0 =	smul.u32 @!p1 s0, s23;
	p2 =	por !p2, p1;
	s10 =	ssub.s32 @!p1 s24, s10  }
0x21: {  	s27 =	smov.u32 @p3 s4;
	s3 =	simm.s32 @!p2 $0x0;
	s22 =	sadd.s32 @!p1 $0xFFFFFF90, s10  }
0x22: {  	s10 =	ssub.s32 @!p1 $0x80, s10;
	p2 =	sgt.s32 @!p1 s22, $0xF;
	s22 =	sadd.s32 $0x10, s17  }
0x23: {  	s0 =	smul.u32 @!p1 s3, s0;
	p2 =	por !p2, p1;
	s28 =	smov.u32 @p3 s22  }
0x24: {  	s3 =	sadd.s32 $0x8, s18;
	s10 =	simm.s32 @!p2 $0x0;
	p2 =	sgt.s32 s28, $0xF  }
0x25: {  	s23 =	smov.u32 s13;
	s0 =	smul.u32 @!p1 s10, s0;
	s29 =	smov.u32 @p2 s3  }
0x26: {  	s3 =	sadd.s32 $0x4, s19;
	s10 =	smov.u32 s19;
	p3 =	sgt.s32 s29, $0x7  }
0x27: {  	s28 =	simm.s32 @p2 $0x0;
	s0 =	smul.u32 @!p1 s1, s0;
	s10 =	smov.u32 @p3 s3  }
0x28: {  	s1 =	sadd.s32 $0x4, s20;
	s3 =	smov.u32 s20;
	p2 =	sgt.s32 s10, $0x3  }
0x29: {  	s13 =	smov.u32 s18;
	s16 =	smov.u32 s27;
	s3 =	smov.u32 @p2 s1  }
0x2a: {  	s24 =	smov.u32 s14;
	s10 =	smov.u32 @p2 s8;
	p2 =	sgt.s32 s3, $0x3  }
0x2b: {  	s14 =	smov.u32 s19;
	s3 =	smov.u32 @p2 s5;
	p2 =	sne.s32 s21, s9  }
.Ltmp1:
0x2c: {  	s22 =	smov.u32 s12;
	s12 =	smov.u32 s17;
	(pc) =	sbr.rel @!p2 .LBB1_8-.Ltmp1, $4  }
0x2d: {  	s29 =	simm.s32 @p3 $0x0;
	s0 =	sand.u32 @!p1 $0x3FFFFFFF, s0;
	s1 =	simm.s32 @!p1 $0x2  }
0x2e: {  	s17 =	smov.u32 s28;
	s18 =	smov.u32 s29;
	_ =	swait.ge @!p1 [sflag:s1], s0  }
0x2f: {  	s0 =	ssub.s32 @!p1 $0x0, s0;
	s19 =	smov.u32 s10;
	[sflag:s1] =	ssyncset.done @!p1 $0x0  }
0x30: {  	s21 =	sadd.s32 $0x1, s21;
	[sflag:s1] =	ssyncadd.s32 @!p1 s0;
	s20 =	smov.u32 s3  }
.LBB1_1:
0x31: {  	p1 =	sgt.u32 s21, s7  }
0x32: {  	s0 =	sshrl.u32 @!p1 s17, $0x3  }
0x33: {  	s1 =	sshll.u32 @!p1 s16, $0x3;
	s0 =	smul.u32 @!p1 $0xAC00, s0  }
0x34: {  	s10 =	sshll.u32 @!p1 s17, $0x7;
	s1 =	sand.u32 @!p1 $0xFFFFFC00, s1  }
0x35: {  	s0 =	sadd.s32 @!p1 s0, s1;
	s1 =	sand.u32 @!p1 $0x380, s10  }
0x36: {  	s28 =	smul.u32 @!p1 $0x56000, s20;
	s10 =	sand.u32 @!p1 $0x7F, s16;
	s0 =	sor.u32 @!p1 s1, s0  }
0x37: {  	s29 =	smul.u32 @!p1 $0x15800, s19;
	s1 =	sor.u32 @!p1 s10, s0  }
0x38: {  	s10 =	smulhi.u32 @!p1 $0x2FA0BE83, s1  }
0x39: {  	s0 =	smulhi.u32 @!p1 $0x2FA0BE83, s0  }
0x3a: {  	s30 =	smul.u32 @!p1 $0x2B00, s18;
	s10 =	sshrl.u32 @!p1 s10, $0xA  }
0x3b: {  	s27 =	sxor.u32 @!p1 $0xFFFFFFFF, s21;
	s0 =	sshrl.u32 @!p1 s0, $0xA;
	s10 =	smul.u32 @!p1 $0x1580, s10  }
0x3c: {  	s27 =	sshll.u32 @!p1 s27, $0xE;
	s28 =	sadd.s32 @!p1 s2, s28;
	s0 =	sand.u32 @!p1 $0xF, s0  }
0x3d: {  	s0 =	smul.u32 @!p1 $0x2B0, s0;
	s1 =	ssub.s32 @!p1 s1, s10;
	s10 =	sadd.s32 @!p1 s29, s28  }
0x3e: {  	s27 =	sand.u32 @!p1 $0x4000, s27;
	s10 =	sadd.s32 @!p1 s30, s10;
	s28 =	sand.u32 @!p1 $0x7, s1  }
0x3f: {  	s1 =	sshrl.u32 @!p1 s1, $0x3;
	s0 =	sadd.s32 @!p1 s0, s10;
	s10 =	sshll.u32 @!p1 s28, $0x12  }
0x40: {  	s0 =	sadd.s32 @!p1 s1, s0;
	s1 =	sor.u32 @!p1 $0x400, s10;
	s10 =	simm.s32 @!p1 $0xAC00  }
0x41: {  	[tilespmem:s27], [sflag:$0x1] =	stream.strided.gather @!p1 [hbm4b:s0+s1], $0x4000, s10, s1, $0x38;
	[tilespmem:$0x10800] =	vst v63  }
0x42: {  	p1 =	seq.s32 s21, $0x0  }
0x43: {  	p2 =	sge.u32 @!p1 s21, s9  }
0x44: {  	p1 =	por p1, p2  }
.Ltmp2:
0x45: {  	_ = 	snop;
	(pc) =	sbr.rel @p1 .LBB1_7-.Ltmp2, $1  }
0x46: {  	_ =	sdelay $0x3  }
0x47: {  	s0 =	simm.s32 $0x1;
	s10 =	sand.u32 $0x1, s21  }
0x48: {  	s0 =	simm.s32 @!p0 $0x0;
	s10 =	smul.u32 $0x11000, s10  }
0x49: {  	_ =	swait.ge [sflag:s6], $0x4000;
	s1 =	smul.u32 $0x11000, s0  }
0x4a: {  	s30 =	simm.s32 $0x0;
	[sflag:s6] =	ssyncset.done $0x0;
	s0 =	sshll.u32 s0, $0xE  }
0x4b: {  	[sflag:s6] =	ssyncadd.s32 $0xFFFFC000;
	s31 =	sshrl.u32 s10, $0x2;
	s1 =	sshrl.u32 s1, $0x2  }
0x4c: {  	s29 =	sor.u32 $0x40, s0;
	s27 =	sor.u32 $0x8000, s31;
	s28 =	sor.u32 $0x8000, s1  }
.LBB1_3:
0x4d: {  	v0 =	vld [tilespmem:s29+$0x30]  }
0x4e: {  	v1 =	vld [tilespmem:s29+$0xFFFFFFD0]  }
0x4f: {  	v5 =	vld [tilespmem:s29+$0xFFFFFFE0]  }
0x50: {  	v6 =	vld [tilespmem:s29+$0xFFFFFFF0]  }
0x51: {  	s31 =	sadd.s32 $0x0, s28;
	v2 =	vld [tilespmem:s29+$0x0]  }
0x52: {  	v3 =	vld [tilespmem:s29+$0x10];
	[tilespmem:s31+$0x3B80 ss:$0x88] =	vst.msk $0xffff, v0  }
0x53: {  	v4 =	vld [tilespmem:s29+$0x20];
	[tilespmem:s31+$0x880 ss:$0x88] =	vst.msk $0xffff, v1  }
0x54: {  	s0 =	sadd.s32 $0x80, s29;
	v0 =	vld [tilespmem:s29+$0xFFFFFFC0];
	[tilespmem:s31+$0x1100 ss:$0x88] =	vst.msk $0xffff, v5  }
0x55: {  	s1 =	simm.s32 $0x4;
	s10 =	simm.s32 $0x8;
	v1 =	vld [tilespmem:s0+$0x30];
	[tilespmem:s31+$0x1980 ss:$0x88] =	vst.msk $0xffff, v6  }
.LBB1_4:
0x56: {  	p1 =	sne.s32 s10, $0x3C;
	v5 =	vld [tilespmem:s0+$0xFFFFFFD0];
	[tilespmem:s31+$0x2200 ss:$0x88] =	vst.msk $0xffff, v2  }
0x57: {  	v6 =	vld [tilespmem:s0+$0xFFFFFFE0];
	[tilespmem:s31+$0x2A80 ss:$0x88] =	vst.msk $0xffff, v3  }
0x58: {  	s3 =	sshra.s32 s1, $0x2;
	s1 =	smov.u32 s10;
	v7 =	vld [tilespmem:s0+$0xFFFFFFF0];
	[tilespmem:s31+$0x3300 ss:$0x88] =	vst.msk $0xffff, v4  }
.Ltmp3:
0x59: {  	v2 =	vld [tilespmem:s0+$0x0];
	[tilespmem:s31+$0x0 ss:$0x88] =	vst.msk $0xffff, v0;
	s31 =	sadd.s32 s3, s28;
	(pc) =	sbr.rel @p1 .LBB1_4-.Ltmp3, $4  }
0x5a: {  	v3 =	vld [tilespmem:s0+$0x10];
	[tilespmem:s31+$0x3B80 ss:$0x88] =	vst.msk $0xffff, v1  }
0x5b: {  	[tilespmem:s31+$0x880 ss:$0x88] =	vst.msk $0xffff, v5;
	v4 =	vld [tilespmem:s0+$0x20]  }
0x5c: {  	v0 =	vld [tilespmem:s0+$0xFFFFFFC0];
	[tilespmem:s31+$0x1100 ss:$0x88] =	vst.msk $0xffff, v6;
	s0 =	sadd.s32 $0x80, s0  }
0x5d: {  	s10 =	sadd.s32 $0x4, s10;
	v1 =	vld [tilespmem:s0+$0x30];
	[tilespmem:s31+$0x1980 ss:$0x88] =	vst.msk $0xffff, v7  }
0x5e: {  	v5 =	vld [tilespmem:s0+$0xFFFFFFD0];
	[tilespmem:s31+$0x2200 ss:$0x88] =	vst.msk $0xffff, v2  }
0x5f: {  	v58 =	vld [tilespmem:s0+$0xFFFFFFE0];
	[tilespmem:s31+$0x2A80 ss:$0x88] =	vst.msk $0xffff, v3  }
0x60: {  	s1 =	sshra.s32 s1, $0x2;
	v59 =	vld [tilespmem:s0+$0xFFFFFFF0];
	[tilespmem:s31+$0x3300 ss:$0x88] =	vst.msk $0xffff, v4  }
0x61: {  	v60 =	vld [tilespmem:s0+$0x0];
	s1 =	sadd.s32 s1, s28;
	[tilespmem:s31+$0x0 ss:$0x88] =	vst.msk $0xffff, v0  }
0x62: {  	v61 =	vld [tilespmem:s0+$0x10];
	[tilespmem:s1+$0x3B80 ss:$0x88] =	vst.msk $0xffff, v1  }
0x63: {  	v62 =	vld [tilespmem:s0+$0x20];
	s30 =	sadd.s32 $0x1, s30;
	[tilespmem:s1+$0x880 ss:$0x88] =	vst.msk $0xffff, v5  }
0x64: {  	v63 =	vld [tilespmem:s0+$0xFFFFFFC0];
	p1 =	sne.s32 s30, $0x8;
	[tilespmem:s1+$0x1100 ss:$0x88] =	vst.msk $0xffff, v58  }
.Ltmp4:
0x65: {  	[tilespmem:s1+$0x1980 ss:$0x88] =	vst.msk $0xffff, v59;
	(pc) =	sbr.rel @p1 .LBB1_3-.Ltmp4, $4  }
0x66: {  	[tilespmem:s1+$0x2200 ss:$0x88] =	vst.msk $0xffff, v60  }
0x67: {  	[tilespmem:s1+$0x2A80 ss:$0x88] =	vst.msk $0xffff, v61  }
0x68: {  	[tilespmem:s1+$0x3300 ss:$0x88] =	vst.msk $0xffff, v62  }
0x69: {  	s29 =	sadd.s32 $0x800, s29;
	s28 =	sadd.s32 $0x11, s28;
	[tilespmem:s1+$0x0 ss:$0x88] =	vst.msk $0xffff, v63  }
0x6a: {  	p1 =	sgt.s32 s15, $0x3;
	s0 =	smov.u32 s15;
	s1 =	sshra.s32 s15, $0x1F  }
0x6b: {  	s0 =	simm.s32 @!p1 $0x3;
	s1 =	sand.u32 s1, s15  }
0x6c: {  	s3 =	sshra.s32 s14, $0x1F;
	p2 =	sgt.s32 s11, $0x14C0;
	s0 =	ssub.s32 s0, s1  }
0x6d: {  	s10 =	smov.u32 s11;
	s28 =	ssub.s32 $0x0, s13;
	s1 =	sadd.s32 $0xFFFFFFFD, s0  }
0x6e: {  	s29 =	smov.u32 s12;
	s0 =	ssub.s32 $0x4, s0;
	p1 =	sgt.s32 s1, $0x0  }
0x6f: {  	s1 =	smov.u32 s14;
	s0 =	simm.s32 @p1 $0x0;
	p1 =	sgt.s32 s14, $0x3  }
0x70: {  	s30 =	sshra.s32 s12, $0x1F;
	s3 =	sand.u32 s3, s14;
	s1 =	simm.s32 @!p1 $0x3  }
0x71: {  	s10 =	simm.s32 @!p2 $0x14C0;
	p1 =	sgt.s32 s12, $0x70;
	s1 =	ssub.s32 s1, s3  }
0x72: {  	s3 =	smin.u32 s13, s28;
	s29 =	simm.s32 @!p1 $0x70;
	s28 =	sand.u32 s30, s12  }
0x73: {  	s31 =	sadd.s32 $0xFFFFFFFD, s1;
	p1 =	sgt.s32 s3, $0x7;
	s3 =	ssub.s32 $0x8, s3  }
0x74: {  	s28 =	ssub.s32 s29, s28;
	p2 =	sgt.s32 s31, $0x0;
	s31 =	sshra.s32 s11, $0x1F  }
0x75: {  	s1 =	ssub.s32 $0x4, s1;
	s3 =	simm.s32 @p1 $0x0;
	s29 =	sand.u32 s31, s11  }
0x76: {  	s0 =	smul.u32 s0, s3;
	s1 =	simm.s32 @p2 $0x0;
	s31 =	sadd.s32 $0xFFFFFF90, s28  }
0x77: {  	s30 =	ssub.s32 s10, s29;
	p1 =	sgt.s32 s31, $0xF;
	s10 =	ssub.s32 $0x80, s28  }
0x78: {  	s31 =	sshll.u32 s14, $0x4;
	s0 =	smul.u32 s1, s0;
	s29 =	sadd.s32 $0xFFFFEB40, s30  }
0x79: {  	s10 =	simm.s32 @p1 $0x0;
	s1 =	ssub.s32 $0x1540, s30;
	s30 =	smul.u32 $0x2A8000, s15  }
0x7a: {  	p1 =	sgt.s32 s29, $0x7F;
	s29 =	rddreg [dreg:$0x2];
	s0 =	smul.u32 s10, s0  }
0x7b: {  	s1 =	simm.s32 @p1 $0x0;
	s3 =	sadd.s32 s29, s30;
	s30 =	sshll.u32 s11, $0x9  }
0x7c: {  	s10 =	sand.u32 $0x30, s31;
	s0 =	smul.u32 s1, s0;
	s1 =	sshll.u32 s13, $0x6  }
.Ltmp5:
0x7d: {  	s31 =	sshrl.u32 s12, $0x3;
	s1 =	sadd.s32 s1, s3;
	(pc) =	sbr.rel .LBB1_7-.Ltmp5, $4  }
0x7e: {  	s29 =	sand.u32 $0x7, s12;
	s3 =	sand.u32 $0xF, s31;
	s1 =	sadd.s32 s10, s1  }
0x7f: {  	s31 =	simm.s32 $0x200;
	s10 =	sshll.u32 s29, $0x12;
	s1 =	sadd.s32 s30, s1  }
0x80: {  	s0 =	sand.u32 $0x3FFFFFFF, s0;
	s30 =	sor.u32 $0x10, s10;
	s1 =	sadd.s32 s3, s1  }
0x81: {  	[hbm4b:s1+s30] =	stream.strided.scatter [tilespmem:s27], [sflag:$0x2], s0, s31, s30, $0x8;
	[tilespmem:$0x10800] =	vst v63  }
.LBB1_8:
0x82: {  	_ =	sfence.sel $0x180000  }
0x83: {  	s0 =	simm.s32 $0x1;
	[bflag:$0x0] =	sbarrier.arrive $0xFFFF  }
0x84: {  	s30 =	simm.s32 $0x2;
	[sflag:s0] =	ssyncpa.u1 $0x1  }
0x85: {  	[sflag:s30] =	ssyncpa.u1 $0x1  }
0x86: {  	_ =	strace $0x9000004A  }
0x87: {  	s31 =	stileid.u32;
	[bflag:$0x2] =	sbarrier.arrive $0xFFFF  }
0x88: {  	p0 =	sne.s32 s31, $0x0;
	s0 =	rddreg [dreg:$0x1]  }
0x89: {  	s0 =	sadd.s32 @!p0 $0x100000, s0  }
0x8a: {  	[sflag:s0] =	ssyncadd.tile.s32 @!p0 $0x1;
	_ =	shalt  }
.Lfunc_end1:
_tile_overlayer_lowered:
.L_overlay_start_2:
0x8b: {  	(tag) =	ssettag $0x2  }
0x8c: {  	s0 =	rddreg [dreg:$0x0];
	s2 =	stileid.u32  }
0x8d: {  	s1 =	rddreg [dreg:$0x1];
	p0 =	sne.s32 s2, $0x0  }
0x8e: {  	s3 =	rddreg [dreg:$0x2];
	[bflag:$0x3] =	sbarrier.arrive $0xFFFF;
	s2 =	simm.s32 @!p0 $0x1C01  }
0x8f: {  	[timem:s3], [sflag:s2] =	dma.local @!p0 [hbm:s0], s1  }
0x90: {  	s0 =	simm.s32 @!p0 $0x1  }
0x91: {  	_ =	swait.ge @!p0 [sflag:s0], s1  }
0x92: {  	s1 =	ssub.s32 @!p0 $0x0, s1;
	[sflag:s0] =	ssyncset.done @!p0 $0x0  }
0x93: {  	[sflag:s0] =	ssyncadd.s32 @!p0 s1  }
0x94: {  	[bflag:$0x3] =	sbarrier.arrive $0xFFFF  }
0x95: {  	_ =	shalt  }

</sc_bundles>
